<compile_context>
chip_gen: v7x
topology: tpu7x:2x2x1
jax: 0.10.2.dev20260603
libtpu: 0.0.44.dev20260713+nightly
codegen_flags: <defaults>
</compile_context>

<pallas_src>
import functools

import jax
import jax.numpy as jnp
from jax import lax
from jax.experimental import pallas as pl
from jax.experimental.pallas import tpu as pltpu
from jax.experimental.pallas import tpu_sc as plsc

_NC = 2
_NS = 16
_L = 16


def _sigmoid(z):
    d = 1.0 + jnp.exp(jnp.minimum(-z, 87.0))
    rc = lax.bitcast_convert_type(
        jnp.int32(0x7EF311C3) - lax.bitcast_convert_type(d, jnp.int32),
        jnp.float32)
    for _ in range(3):
        rc = rc * (2.0 - d * rc)
    return rc


def _sc_body(nrows, ngroups, x_hbm, consts_hbm, out_hbm,
             xv, cv, lut, ov, spm, sem, sem2):
    wid = lax.axis_index("s") * _NC + lax.axis_index("c")
    xcp = pltpu.async_copy(
        x_hbm.at[pl.ds(wid * (nrows * 15), nrows * 15)], xv, sem)

    @pl.when(lax.axis_index("s") == 0)
    def _():
        pltpu.sync_copy(consts_hbm, spm)
    plsc.subcore_barrier()
    pltpu.sync_copy(spm, cv)

    def splat(val):
        return jnp.broadcast_to(val, (_L,))

    _W0 = 336
    wvec = [cv[pl.ds(_W0 + 16 * q, _L)] for q in range(7)]

    def wsc(flat):
        return wvec[flat // _L][flat % _L]

    w6 = [wsc(78 + j) for j in range(6)]

    vsp = []
    for d in range(12):
        acc = w6[0] * wsc(d)
        for j in range(1, 6):
            acc = acc + w6[j] * wsc(j * 12 + d)
        vsp.append(splat(acc))

    lane = jax.lax.iota(jnp.int32, _L)
    for half in range(2):
        row6 = (lane + half * _L) * 6
        ss = jnp.zeros((_L,), jnp.float32)
        aa = jnp.zeros((_L,), jnp.float32)
        for d in range(6):
            if half == 0:
                ss = ss + vsp[d] * plsc.load_gather(cv, [row6 + d])
            else:
                ss = ss + vsp[d] * plsc.load_gather(
                    cv, [jnp.minimum(row6 + d, 143)])
            aa = aa + vsp[6 + d] * plsc.load_gather(cv, [144 + row6 + d])
        lut[pl.ds(half * _L, _L)] = ss
        lut[pl.ds(32 + half * _L, _L)] = aa

    plsc.subcore_barrier()

    cs = wsc(97)
    for i in range(6):
        cs = cs + w6[i] * wsc(72 + i)
    c16 = splat(cs)
    wd = [splat(wsc(84 + k)) for k in range(13)]

    lane15 = lane * 15
    xcp.wait()

    _UNROLL = 4

    def group(gq, carry):
        for u in range(_UNROLL):
            g = gq * _UNROLL + u
            fid = lane15 + g * (_L * 15)
            si = plsc.load_gather(xv, [fid + 13]).astype(jnp.int32)
            ai = plsc.load_gather(xv, [fid + 14]).astype(jnp.int32)
            t = [plsc.load_gather(xv, [fid + k]) * wd[k] for k in range(13)]
            t.append(plsc.load_gather(lut, [si]))
            t.append(plsc.load_gather(lut, [ai + 32]))
            t.append(c16)
            while len(t) > 1:
                t = [t[i] + t[i + 1] for i in range(0, len(t) - 1, 2)] + (
                    [t[-1]] if len(t) % 2 else [])
            z = t[0]
            ov[pl.ds(g * _L, _L)] = _sigmoid(z)
        return carry

    lax.fori_loop(0, ngroups // _UNROLL, group, 0)
    pltpu.sync_copy(ov, out_hbm.at[pl.ds(wid * nrows, nrows)])


def kernel(x, site_table, app_table, fusion_W, fusion_b, log_W, log_b):
    B = x.shape[0]
    nw = _NC * _NS
    nrows = B // nw
    ngroups = nrows // _L
    assert nrows * nw == B and ngroups * _L == nrows and ngroups % 4 == 0

    consts = jnp.concatenate(
        [site_table.astype(jnp.float32).reshape(-1),
         app_table.astype(jnp.float32).reshape(-1),
         fusion_W.astype(jnp.float32).reshape(-1),
         fusion_b.astype(jnp.float32),
         log_W.astype(jnp.float32).reshape(-1),
         log_b.astype(jnp.float32),
         jnp.zeros((14,), jnp.float32)])

    xflat = x.astype(jnp.float32).reshape(-1)

    run = pl.kernel(
        functools.partial(_sc_body, nrows, ngroups),
        out_type=jax.ShapeDtypeStruct((B,), jnp.float32),
        mesh=plsc.VectorSubcoreMesh(core_axis_name="c", subcore_axis_name="s"),
        compiler_params=pltpu.CompilerParams(needs_layout_passes=False),
        scratch_types=[
            pltpu.VMEM((nrows * 15,), jnp.float32),
            pltpu.VMEM((448,), jnp.float32),
            pltpu.VMEM((64,), jnp.float32),
            pltpu.VMEM((nrows,), jnp.float32),
            pltpu.VMEM_SHARED((448,), jnp.float32),
            pltpu.SemaphoreType.DMA,
            pltpu.SemaphoreType.DMA,
        ],
    )
    out = run(xflat, consts)
    return out.reshape(B, 1)

# --- scband reference (transcript-rebuilt; emitter-appended) ---
"""Pipeline reference for scband-wide-and-deep-91190745629310 (READ-ONLY COPY).

The authoritative reference and input builder live on the scoring server;
editing this copy changes nothing except your own understanding.
"""

import jax, jax.numpy as jnp
import numpy as np


def setup_inputs(seed: int = 0) -> dict:
    key = jax.random.key(seed)
    ks = jax.random.split(key, 8)
    B = 16384
    # x: [B, 15]; cols 0..12 dense features, col 13 site idx (<24), col 14 app idx (<32).
    # fill=randint with fill_max=24 keeps both index columns in-range.
    x = jax.random.randint(ks[0], (B, 15), 0, 24).astype(jnp.float32)
    site_table = jax.random.normal(ks[1], (24, 6), dtype=jnp.float32)
    app_table = jax.random.normal(ks[2], (32, 6), dtype=jnp.float32)
    fusion_W = jax.random.normal(ks[3], (6, 12), dtype=jnp.float32) * (1.0 / np.sqrt(12))
    fusion_b = jax.random.normal(ks[4], (6,), dtype=jnp.float32) * 0.01
    log_W = jax.random.normal(ks[5], (1, 19), dtype=jnp.float32) * (1.0 / np.sqrt(19))
    log_b = jax.random.normal(ks[6], (1,), dtype=jnp.float32) * 0.01
    return {"x": x, "site_table": site_table, "app_table": app_table,
            "fusion_W": fusion_W, "fusion_b": fusion_b,
            "log_W": log_W, "log_b": log_b}


def reference(x, site_table, app_table, fusion_W, fusion_b, log_W, log_b):
    site_idx = x[:, -2].astype(jnp.int32)
    app_idx = x[:, -1].astype(jnp.int32)
    site = jnp.take(site_table, site_idx, axis=0)   # [B, 6] gather
    app = jnp.take(app_table, app_idx, axis=0)      # [B, 6] gather
    cat = jnp.concatenate((site, app), axis=1)      # [B, 12]
    emb = cat @ fusion_W.T + fusion_b               # [B, 6]
    feats = jnp.concatenate((emb, x[:, :-2]), axis=1)  # [B, 19]
    out = jax.nn.sigmoid(feats @ log_W.T + log_b)   # [B, 1]
    return out

if __name__ == "__main__":
    import jax
    _d = setup_inputs()
    print(jax.jit(kernel)(*tuple(_d.values())))

</pallas_src>

<mosaic_0001>
#map = affine_map<(d0, d1) -> (0)>
module attributes {stable_mosaic.version = 14 : i64} {
  func.func @_sc_body(%arg0: i32, %arg1: i32, %arg2: memref<245760xf32, #tpu.memory_space<hbm>>, %arg3: memref<448xf32, #tpu.memory_space<hbm>>, %arg4: memref<16384xf32, #tpu.memory_space<hbm>>, %arg5: memref<7680xf32, #tpu.memory_space<vmem>>, %arg6: memref<448xf32, #tpu.memory_space<vmem>>, %arg7: memref<64xf32, #tpu.memory_space<vmem>>, %arg8: memref<512xf32, #tpu.memory_space<vmem>>, %arg9: memref<448xf32, #tpu.memory_space<vmem_shared>>, %arg10: memref<!tpu.dma_semaphore, #tpu.memory_space<semaphore_mem>>, %arg11: memref<!tpu.dma_semaphore, #tpu.memory_space<semaphore_mem>>) attributes {dimension_semantics = [#tpu.dimension_semantics<core_parallel>, #tpu.dimension_semantics<subcore_parallel>], iteration_bounds = array<i64: 2, 16>, scalar_prefetch = 0 : i64, scratch_operands = 7 : i64, tpu.core_type = #tpu.core_type<sc_vector_subcore>, window_params = [{transform_indices = #map}, {transform_indices = #map}, {transform_indices = #map}]} {
    %mul3A = arith.constant 2 : i32
    %mul3A_0 = arith.muli %arg1, %mul3A : i32
    %add3A = arith.addi %mul3A_0, %arg0 : i32
    %mul3A_1 = arith.constant 7680 : i32
    %mul3A_2 = arith.muli %add3A, %mul3A_1 : i32
    %dma_start3A = tpu.memref_slice %arg2[%mul3A_2] : memref<245760xf32, #tpu.memory_space<hbm>> -> memref<7680xf32, #tpu.memory_space<hbm>>
    %dma_start3A_3 = tpu.memref_slice %arg2[%mul3A_2] : memref<245760xf32, #tpu.memory_space<hbm>> -> memref<7680xf32, #tpu.memory_space<hbm>>
    tpu.enqueue_dma source(%dma_start3A_3 : memref<7680xf32, #tpu.memory_space<hbm>>) target(%arg5 : memref<7680xf32, #tpu.memory_space<vmem>>) target_semaphore(%arg10 : memref<!tpu.dma_semaphore, #tpu.memory_space<semaphore_mem>>)
    %eq3A = arith.constant 0 : i32
    %eq3A_4 = arith.cmpi eq, %arg1, %eq3A : i32
    %convert_element_type3A = arith.extui %eq3A_4 : i1 to i32
    %cond3A = arith.constant 0 : i32
    %cond3A_5 = arith.cmpi ne, %convert_element_type3A, %cond3A : i32
    scf.if %cond3A_5 {
      "tpu.region"() ({
        %run_scoped3A = tpu.sem_alloc : memref<!tpu.dma_semaphore, #tpu.memory_space<semaphore_mem>>
        tpu.enqueue_dma source(%arg3 : memref<448xf32, #tpu.memory_space<hbm>>) target(%arg9 : memref<448xf32, #tpu.memory_space<vmem_shared>>) target_semaphore(%run_scoped3A : memref<!tpu.dma_semaphore, #tpu.memory_space<semaphore_mem>>)
        tpu.wait_dma2 semaphore(%run_scoped3A : memref<!tpu.dma_semaphore, #tpu.memory_space<semaphore_mem>>) src(%arg3 : memref<448xf32, #tpu.memory_space<hbm>>) dst(%arg9 : memref<448xf32, #tpu.memory_space<vmem_shared>>)
        tpu.yield
      }) : () -> ()
    } else {
    }
    %barrier3A = arith.constant 0 : index
    tpu.barrier barrier_id(%barrier3A)
    "tpu.region"() ({
      %run_scoped3A = tpu.sem_alloc : memref<!tpu.dma_semaphore, #tpu.memory_space<semaphore_mem>>
      tpu.enqueue_dma source(%arg9 : memref<448xf32, #tpu.memory_space<vmem_shared>>) target(%arg6 : memref<448xf32, #tpu.memory_space<vmem>>) target_semaphore(%run_scoped3A : memref<!tpu.dma_semaphore, #tpu.memory_space<semaphore_mem>>)
      tpu.wait_dma2 semaphore(%run_scoped3A : memref<!tpu.dma_semaphore, #tpu.memory_space<semaphore_mem>>) src(%arg9 : memref<448xf32, #tpu.memory_space<vmem_shared>>) dst(%arg6 : memref<448xf32, #tpu.memory_space<vmem>>)
      tpu.yield
    }) : () -> ()
    %get3A = arith.constant 336 : index
    %get3A_6 = tpu.vector_load %arg6[%get3A] {strides = array<i32>} : memref<448xf32, #tpu.memory_space<vmem>>, vector<16xf32>,
    %get3A_7 = arith.constant 352 : index
    %get3A_8 = tpu.vector_load %arg6[%get3A_7] {strides = array<i32>} : memref<448xf32, #tpu.memory_space<vmem>>, vector<16xf32>,
    %get3A_9 = arith.constant 368 : index
    %get3A_10 = tpu.vector_load %arg6[%get3A_9] {strides = array<i32>} : memref<448xf32, #tpu.memory_space<vmem>>, vector<16xf32>,
    %get3A_11 = arith.constant 384 : index
    %get3A_12 = tpu.vector_load %arg6[%get3A_11] {strides = array<i32>} : memref<448xf32, #tpu.memory_space<vmem>>, vector<16xf32>,
    %get3A_13 = arith.constant 400 : index
    %get3A_14 = tpu.vector_load %arg6[%get3A_13] {strides = array<i32>} : memref<448xf32, #tpu.memory_space<vmem>>, vector<16xf32>,
    %get3A_15 = arith.constant 416 : index
    %get3A_16 = tpu.vector_load %arg6[%get3A_15] {strides = array<i32>} : memref<448xf32, #tpu.memory_space<vmem>>, vector<16xf32>,
    %get3A_17 = arith.constant 432 : index
    %get3A_18 = tpu.vector_load %arg6[%get3A_17] {strides = array<i32>} : memref<448xf32, #tpu.memory_space<vmem>>, vector<16xf32>,
    %slice3A = vector.extract_strided_slice %get3A_14 {offsets = [14], sizes = [1], strides = [1]} : vector<16xf32> to vector<1xf32>
    %squeeze3A = vector.extract %slice3A[0] : f32 from vector<1xf32>
    %slice3A_19 = vector.extract_strided_slice %get3A_14 {offsets = [15], sizes = [1], strides = [1]} : vector<16xf32> to vector<1xf32>
    %squeeze3A_20 = vector.extract %slice3A_19[0] : f32 from vector<1xf32>
    %slice3A_21 = vector.extract_strided_slice %get3A_16 {offsets = [0], sizes = [1], strides = [1]} : vector<16xf32> to vector<1xf32>
    %squeeze3A_22 = vector.extract %slice3A_21[0] : f32 from vector<1xf32>
    %slice3A_23 = vector.extract_strided_slice %get3A_16 {offsets = [1], sizes = [1], strides = [1]} : vector<16xf32> to vector<1xf32>
    %squeeze3A_24 = vector.extract %slice3A_23[0] : f32 from vector<1xf32>
    %slice3A_25 = vector.extract_strided_slice %get3A_16 {offsets = [2], sizes = [1], strides = [1]} : vector<16xf32> to vector<1xf32>
    %squeeze3A_26 = vector.extract %slice3A_25[0] : f32 from vector<1xf32>
    %slice3A_27 = vector.extract_strided_slice %get3A_16 {offsets = [3], sizes = [1], strides = [1]} : vector<16xf32> to vector<1xf32>
    %squeeze3A_28 = vector.extract %slice3A_27[0] : f32 from vector<1xf32>
    %slice3A_29 = vector.extract_strided_slice %get3A_6 {offsets = [0], sizes = [1], strides = [1]} : vector<16xf32> to vector<1xf32>
    %squeeze3A_30 = vector.extract %slice3A_29[0] : f32 from vector<1xf32>
    %mul3A_31 = arith.mulf %squeeze3A, %squeeze3A_30 : f32
    %slice3A_32 = vector.extract_strided_slice %get3A_6 {offsets = [12], sizes = [1], strides = [1]} : vector<16xf32> to vector<1xf32>
    %squeeze3A_33 = vector.extract %slice3A_32[0] : f32 from vector<1xf32>
    %mul3A_34 = arith.mulf %squeeze3A_20, %squeeze3A_33 : f32
    %add3A_35 = arith.addf %mul3A_31, %mul3A_34 : f32
    %slice3A_36 = vector.extract_strided_slice %get3A_8 {offsets = [8], sizes = [1], strides = [1]} : vector<16xf32> to vector<1xf32>
    %squeeze3A_37 = vector.extract %slice3A_36[0] : f32 from vector<1xf32>
    %mul3A_38 = arith.mulf %squeeze3A_22, %squeeze3A_37 : f32
    %add3A_39 = arith.addf %add3A_35, %mul3A_38 : f32
    %slice3A_40 = vector.extract_strided_slice %get3A_10 {offsets = [4], sizes = [1], strides = [1]} : vector<16xf32> to vector<1xf32>
    %squeeze3A_41 = vector.extract %slice3A_40[0] : f32 from vector<1xf32>
    %mul3A_42 = arith.mulf %squeeze3A_24, %squeeze3A_41 : f32
    %add3A_43 = arith.addf %add3A_39, %mul3A_42 : f32
    %slice3A_44 = vector.extract_strided_slice %get3A_12 {offsets = [0], sizes = [1], strides = [1]} : vector<16xf32> to vector<1xf32>
    %squeeze3A_45 = vector.extract %slice3A_44[0] : f32 from vector<1xf32>
    %mul3A_46 = arith.mulf %squeeze3A_26, %squeeze3A_45 : f32
    %add3A_47 = arith.addf %add3A_43, %mul3A_46 : f32
    %slice3A_48 = vector.extract_strided_slice %get3A_12 {offsets = [12], sizes = [1], strides = [1]} : vector<16xf32> to vector<1xf32>
    %squeeze3A_49 = vector.extract %slice3A_48[0] : f32 from vector<1xf32>
    %mul3A_50 = arith.mulf %squeeze3A_28, %squeeze3A_49 : f32
    %add3A_51 = arith.addf %add3A_47, %mul3A_50 : f32
    %broadcast_in_dim3A = vector.broadcast %add3A_51 : f32 to vector<16xf32>
    %slice3A_52 = vector.extract_strided_slice %get3A_6 {offsets = [1], sizes = [1], strides = [1]} : vector<16xf32> to vector<1xf32>
    %squeeze3A_53 = vector.extract %slice3A_52[0] : f32 from vector<1xf32>
    %mul3A_54 = arith.mulf %squeeze3A, %squeeze3A_53 : f32
    %slice3A_55 = vector.extract_strided_slice %get3A_6 {offsets = [13], sizes = [1], strides = [1]} : vector<16xf32> to vector<1xf32>
    %squeeze3A_56 = vector.extract %slice3A_55[0] : f32 from vector<1xf32>
    %mul3A_57 = arith.mulf %squeeze3A_20, %squeeze3A_56 : f32
    %add3A_58 = arith.addf %mul3A_54, %mul3A_57 : f32
    %slice3A_59 = vector.extract_strided_slice %get3A_8 {offsets = [9], sizes = [1], strides = [1]} : vector<16xf32> to vector<1xf32>
    %squeeze3A_60 = vector.extract %slice3A_59[0] : f32 from vector<1xf32>
    %mul3A_61 = arith.mulf %squeeze3A_22, %squeeze3A_60 : f32
    %add3A_62 = arith.addf %add3A_58, %mul3A_61 : f32
    %slice3A_63 = vector.extract_strided_slice %get3A_10 {offsets = [5], sizes = [1], strides = [1]} : vector<16xf32> to vector<1xf32>
    %squeeze3A_64 = vector.extract %slice3A_63[0] : f32 from vector<1xf32>
    %mul3A_65 = arith.mulf %squeeze3A_24, %squeeze3A_64 : f32
    %add3A_66 = arith.addf %add3A_62, %mul3A_65 : f32
    %slice3A_67 = vector.extract_strided_slice %get3A_12 {offsets = [1], sizes = [1], strides = [1]} : vector<16xf32> to vector<1xf32>
    %squeeze3A_68 = vector.extract %slice3A_67[0] : f32 from vector<1xf32>
    %mul3A_69 = arith.mulf %squeeze3A_26, %squeeze3A_68 : f32
    %add3A_70 = arith.addf %add3A_66, %mul3A_69 : f32
    %slice3A_71 = vector.extract_strided_slice %get3A_12 {offsets = [13], sizes = [1], strides = [1]} : vector<16xf32> to vector<1xf32>
    %squeeze3A_72 = vector.extract %slice3A_71[0] : f32 from vector<1xf32>
    %mul3A_73 = arith.mulf %squeeze3A_28, %squeeze3A_72 : f32
    %add3A_74 = arith.addf %add3A_70, %mul3A_73 : f32
    %broadcast_in_dim3A_75 = vector.broadcast %add3A_74 : f32 to vector<16xf32>
    %slice3A_76 = vector.extract_strided_slice %get3A_6 {offsets = [2], sizes = [1], strides = [1]} : vector<16xf32> to vector<1xf32>
    %squeeze3A_77 = vector.extract %slice3A_76[0] : f32 from vector<1xf32>
    %mul3A_78 = arith.mulf %squeeze3A, %squeeze3A_77 : f32
    %slice3A_79 = vector.extract_strided_slice %get3A_6 {offsets = [14], sizes = [1], strides = [1]} : vector<16xf32> to vector<1xf32>
    %squeeze3A_80 = vector.extract %slice3A_79[0] : f32 from vector<1xf32>
    %mul3A_81 = arith.mulf %squeeze3A_20, %squeeze3A_80 : f32
    %add3A_82 = arith.addf %mul3A_78, %mul3A_81 : f32
    %slice3A_83 = vector.extract_strided_slice %get3A_8 {offsets = [10], sizes = [1], strides = [1]} : vector<16xf32> to vector<1xf32>
    %squeeze3A_84 = vector.extract %slice3A_83[0] : f32 from vector<1xf32>
    %mul3A_85 = arith.mulf %squeeze3A_22, %squeeze3A_84 : f32
    %add3A_86 = arith.addf %add3A_82, %mul3A_85 : f32
    %slice3A_87 = vector.extract_strided_slice %get3A_10 {offsets = [6], sizes = [1], strides = [1]} : vector<16xf32> to vector<1xf32>
    %squeeze3A_88 = vector.extract %slice3A_87[0] : f32 from vector<1xf32>
    %mul3A_89 = arith.mulf %squeeze3A_24, %squeeze3A_88 : f32
    %add3A_90 = arith.addf %add3A_86, %mul3A_89 : f32
    %slice3A_91 = vector.extract_strided_slice %get3A_12 {offsets = [2], sizes = [1], strides = [1]} : vector<16xf32> to vector<1xf32>
    %squeeze3A_92 = vector.extract %slice3A_91[0] : f32 from vector<1xf32>
    %mul3A_93 = arith.mulf %squeeze3A_26, %squeeze3A_92 : f32
    %add3A_94 = arith.addf %add3A_90, %mul3A_93 : f32
    %slice3A_95 = vector.extract_strided_slice %get3A_12 {offsets = [14], sizes = [1], strides = [1]} : vector<16xf32> to vector<1xf32>
    %squeeze3A_96 = vector.extract %slice3A_95[0] : f32 from vector<1xf32>
    %mul3A_97 = arith.mulf %squeeze3A_28, %squeeze3A_96 : f32
    %add3A_98 = arith.addf %add3A_94, %mul3A_97 : f32
    %broadcast_in_dim3A_99 = vector.broadcast %add3A_98 : f32 to vector<16xf32>
    %slice3A_100 = vector.extract_strided_slice %get3A_6 {offsets = [3], sizes = [1], strides = [1]} : vector<16xf32> to vector<1xf32>
    %squeeze3A_101 = vector.extract %slice3A_100[0] : f32 from vector<1xf32>
    %mul3A_102 = arith.mulf %squeeze3A, %squeeze3A_101 : f32
    %slice3A_103 = vector.extract_strided_slice %get3A_6 {offsets = [15], sizes = [1], strides = [1]} : vector<16xf32> to vector<1xf32>
    %squeeze3A_104 = vector.extract %slice3A_103[0] : f32 from vector<1xf32>
    %mul3A_105 = arith.mulf %squeeze3A_20, %squeeze3A_104 : f32
    %add3A_106 = arith.addf %mul3A_102, %mul3A_105 : f32
    %slice3A_107 = vector.extract_strided_slice %get3A_8 {offsets = [11], sizes = [1], strides = [1]} : vector<16xf32> to vector<1xf32>
    %squeeze3A_108 = vector.extract %slice3A_107[0] : f32 from vector<1xf32>
    %mul3A_109 = arith.mulf %squeeze3A_22, %squeeze3A_108 : f32
    %add3A_110 = arith.addf %add3A_106, %mul3A_109 : f32
    %slice3A_111 = vector.extract_strided_slice %get3A_10 {offsets = [7], sizes = [1], strides = [1]} : vector<16xf32> to vector<1xf32>
    %squeeze3A_112 = vector.extract %slice3A_111[0] : f32 from vector<1xf32>
    %mul3A_113 = arith.mulf %squeeze3A_24, %squeeze3A_112 : f32
    %add3A_114 = arith.addf %add3A_110, %mul3A_113 : f32
    %slice3A_115 = vector.extract_strided_slice %get3A_12 {offsets = [3], sizes = [1], strides = [1]} : vector<16xf32> to vector<1xf32>
    %squeeze3A_116 = vector.extract %slice3A_115[0] : f32 from vector<1xf32>
    %mul3A_117 = arith.mulf %squeeze3A_26, %squeeze3A_116 : f32
    %add3A_118 = arith.addf %add3A_114, %mul3A_117 : f32
    %slice3A_119 = vector.extract_strided_slice %get3A_12 {offsets = [15], sizes = [1], strides = [1]} : vector<16xf32> to vector<1xf32>
    %squeeze3A_120 = vector.extract %slice3A_119[0] : f32 from vector<1xf32>
    %mul3A_121 = arith.mulf %squeeze3A_28, %squeeze3A_120 : f32
    %add3A_122 = arith.addf %add3A_118, %mul3A_121 : f32
    %broadcast_in_dim3A_123 = vector.broadcast %add3A_122 : f32 to vector<16xf32>
    %slice3A_124 = vector.extract_strided_slice %get3A_6 {offsets = [4], sizes = [1], strides = [1]} : vector<16xf32> to vector<1xf32>
    %squeeze3A_125 = vector.extract %slice3A_124[0] : f32 from vector<1xf32>
    %mul3A_126 = arith.mulf %squeeze3A, %squeeze3A_125 : f32
    %slice3A_127 = vector.extract_strided_slice %get3A_8 {offsets = [0], sizes = [1], strides = [1]} : vector<16xf32> to vector<1xf32>
    %squeeze3A_128 = vector.extract %slice3A_127[0] : f32 from vector<1xf32>
    %mul3A_129 = arith.mulf %squeeze3A_20, %squeeze3A_128 : f32
    %add3A_130 = arith.addf %mul3A_126, %mul3A_129 : f32
    %slice3A_131 = vector.extract_strided_slice %get3A_8 {offsets = [12], sizes = [1], strides = [1]} : vector<16xf32> to vector<1xf32>
    %squeeze3A_132 = vector.extract %slice3A_131[0] : f32 from vector<1xf32>
    %mul3A_133 = arith.mulf %squeeze3A_22, %squeeze3A_132 : f32
    %add3A_134 = arith.addf %add3A_130, %mul3A_133 : f32
    %slice3A_135 = vector.extract_strided_slice %get3A_10 {offsets = [8], sizes = [1], strides = [1]} : vector<16xf32> to vector<1xf32>
    %squeeze3A_136 = vector.extract %slice3A_135[0] : f32 from vector<1xf32>
    %mul3A_137 = arith.mulf %squeeze3A_24, %squeeze3A_136 : f32
    %add3A_138 = arith.addf %add3A_134, %mul3A_137 : f32
    %slice3A_139 = vector.extract_strided_slice %get3A_12 {offsets = [4], sizes = [1], strides = [1]} : vector<16xf32> to vector<1xf32>
    %squeeze3A_140 = vector.extract %slice3A_139[0] : f32 from vector<1xf32>
    %mul3A_141 = arith.mulf %squeeze3A_26, %squeeze3A_140 : f32
    %add3A_142 = arith.addf %add3A_138, %mul3A_141 : f32
    %slice3A_143 = vector.extract_strided_slice %get3A_14 {offsets = [0], sizes = [1], strides = [1]} : vector<16xf32> to vector<1xf32>
    %squeeze3A_144 = vector.extract %slice3A_143[0] : f32 from vector<1xf32>
    %mul3A_145 = arith.mulf %squeeze3A_28, %squeeze3A_144 : f32
    %add3A_146 = arith.addf %add3A_142, %mul3A_145 : f32
    %broadcast_in_dim3A_147 = vector.broadcast %add3A_146 : f32 to vector<16xf32>
    %slice3A_148 = vector.extract_strided_slice %get3A_6 {offsets = [5], sizes = [1], strides = [1]} : vector<16xf32> to vector<1xf32>
    %squeeze3A_149 = vector.extract %slice3A_148[0] : f32 from vector<1xf32>
    %mul3A_150 = arith.mulf %squeeze3A, %squeeze3A_149 : f32
    %slice3A_151 = vector.extract_strided_slice %get3A_8 {offsets = [1], sizes = [1], strides = [1]} : vector<16xf32> to vector<1xf32>
    %squeeze3A_152 = vector.extract %slice3A_151[0] : f32 from vector<1xf32>
    %mul3A_153 = arith.mulf %squeeze3A_20, %squeeze3A_152 : f32
    %add3A_154 = arith.addf %mul3A_150, %mul3A_153 : f32
    %slice3A_155 = vector.extract_strided_slice %get3A_8 {offsets = [13], sizes = [1], strides = [1]} : vector<16xf32> to vector<1xf32>
    %squeeze3A_156 = vector.extract %slice3A_155[0] : f32 from vector<1xf32>
    %mul3A_157 = arith.mulf %squeeze3A_22, %squeeze3A_156 : f32
    %add3A_158 = arith.addf %add3A_154, %mul3A_157 : f32
    %slice3A_159 = vector.extract_strided_slice %get3A_10 {offsets = [9], sizes = [1], strides = [1]} : vector<16xf32> to vector<1xf32>
    %squeeze3A_160 = vector.extract %slice3A_159[0] : f32 from vector<1xf32>
    %mul3A_161 = arith.mulf %squeeze3A_24, %squeeze3A_160 : f32
    %add3A_162 = arith.addf %add3A_158, %mul3A_161 : f32
    %slice3A_163 = vector.extract_strided_slice %get3A_12 {offsets = [5], sizes = [1], strides = [1]} : vector<16xf32> to vector<1xf32>
    %squeeze3A_164 = vector.extract %slice3A_163[0] : f32 from vector<1xf32>
    %mul3A_165 = arith.mulf %squeeze3A_26, %squeeze3A_164 : f32
    %add3A_166 = arith.addf %add3A_162, %mul3A_165 : f32
    %slice3A_167 = vector.extract_strided_slice %get3A_14 {offsets = [1], sizes = [1], strides = [1]} : vector<16xf32> to vector<1xf32>
    %squeeze3A_168 = vector.extract %slice3A_167[0] : f32 from vector<1xf32>
    %mul3A_169 = arith.mulf %squeeze3A_28, %squeeze3A_168 : f32
    %add3A_170 = arith.addf %add3A_166, %mul3A_169 : f32
    %broadcast_in_dim3A_171 = vector.broadcast %add3A_170 : f32 to vector<16xf32>
    %slice3A_172 = vector.extract_strided_slice %get3A_6 {offsets = [6], sizes = [1], strides = [1]} : vector<16xf32> to vector<1xf32>
    %squeeze3A_173 = vector.extract %slice3A_172[0] : f32 from vector<1xf32>
    %mul3A_174 = arith.mulf %squeeze3A, %squeeze3A_173 : f32
    %slice3A_175 = vector.extract_strided_slice %get3A_8 {offsets = [2], sizes = [1], strides = [1]} : vector<16xf32> to vector<1xf32>
    %squeeze3A_176 = vector.extract %slice3A_175[0] : f32 from vector<1xf32>
    %mul3A_177 = arith.mulf %squeeze3A_20, %squeeze3A_176 : f32
    %add3A_178 = arith.addf %mul3A_174, %mul3A_177 : f32
    %slice3A_179 = vector.extract_strided_slice %get3A_8 {offsets = [14], sizes = [1], strides = [1]} : vector<16xf32> to vector<1xf32>
    %squeeze3A_180 = vector.extract %slice3A_179[0] : f32 from vector<1xf32>
    %mul3A_181 = arith.mulf %squeeze3A_22, %squeeze3A_180 : f32
    %add3A_182 = arith.addf %add3A_178, %mul3A_181 : f32
    %slice3A_183 = vector.extract_strided_slice %get3A_10 {offsets = [10], sizes = [1], strides = [1]} : vector<16xf32> to vector<1xf32>
    %squeeze3A_184 = vector.extract %slice3A_183[0] : f32 from vector<1xf32>
    %mul3A_185 = arith.mulf %squeeze3A_24, %squeeze3A_184 : f32
    %add3A_186 = arith.addf %add3A_182, %mul3A_185 : f32
    %slice3A_187 = vector.extract_strided_slice %get3A_12 {offsets = [6], sizes = [1], strides = [1]} : vector<16xf32> to vector<1xf32>
    %squeeze3A_188 = vector.extract %slice3A_187[0] : f32 from vector<1xf32>
    %mul3A_189 = arith.mulf %squeeze3A_26, %squeeze3A_188 : f32
    %add3A_190 = arith.addf %add3A_186, %mul3A_189 : f32
    %slice3A_191 = vector.extract_strided_slice %get3A_14 {offsets = [2], sizes = [1], strides = [1]} : vector<16xf32> to vector<1xf32>
    %squeeze3A_192 = vector.extract %slice3A_191[0] : f32 from vector<1xf32>
    %mul3A_193 = arith.mulf %squeeze3A_28, %squeeze3A_192 : f32
    %add3A_194 = arith.addf %add3A_190, %mul3A_193 : f32
    %broadcast_in_dim3A_195 = vector.broadcast %add3A_194 : f32 to vector<16xf32>
    %slice3A_196 = vector.extract_strided_slice %get3A_6 {offsets = [7], sizes = [1], strides = [1]} : vector<16xf32> to vector<1xf32>
    %squeeze3A_197 = vector.extract %slice3A_196[0] : f32 from vector<1xf32>
    %mul3A_198 = arith.mulf %squeeze3A, %squeeze3A_197 : f32
    %slice3A_199 = vector.extract_strided_slice %get3A_8 {offsets = [3], sizes = [1], strides = [1]} : vector<16xf32> to vector<1xf32>
    %squeeze3A_200 = vector.extract %slice3A_199[0] : f32 from vector<1xf32>
    %mul3A_201 = arith.mulf %squeeze3A_20, %squeeze3A_200 : f32
    %add3A_202 = arith.addf %mul3A_198, %mul3A_201 : f32
    %slice3A_203 = vector.extract_strided_slice %get3A_8 {offsets = [15], sizes = [1], strides = [1]} : vector<16xf32> to vector<1xf32>
    %squeeze3A_204 = vector.extract %slice3A_203[0] : f32 from vector<1xf32>
    %mul3A_205 = arith.mulf %squeeze3A_22, %squeeze3A_204 : f32
    %add3A_206 = arith.addf %add3A_202, %mul3A_205 : f32
    %slice3A_207 = vector.extract_strided_slice %get3A_10 {offsets = [11], sizes = [1], strides = [1]} : vector<16xf32> to vector<1xf32>
    %squeeze3A_208 = vector.extract %slice3A_207[0] : f32 from vector<1xf32>
    %mul3A_209 = arith.mulf %squeeze3A_24, %squeeze3A_208 : f32
    %add3A_210 = arith.addf %add3A_206, %mul3A_209 : f32
    %slice3A_211 = vector.extract_strided_slice %get3A_12 {offsets = [7], sizes = [1], strides = [1]} : vector<16xf32> to vector<1xf32>
    %squeeze3A_212 = vector.extract %slice3A_211[0] : f32 from vector<1xf32>
    %mul3A_213 = arith.mulf %squeeze3A_26, %squeeze3A_212 : f32
    %add3A_214 = arith.addf %add3A_210, %mul3A_213 : f32
    %slice3A_215 = vector.extract_strided_slice %get3A_14 {offsets = [3], sizes = [1], strides = [1]} : vector<16xf32> to vector<1xf32>
    %squeeze3A_216 = vector.extract %slice3A_215[0] : f32 from vector<1xf32>
    %mul3A_217 = arith.mulf %squeeze3A_28, %squeeze3A_216 : f32
    %add3A_218 = arith.addf %add3A_214, %mul3A_217 : f32
    %broadcast_in_dim3A_219 = vector.broadcast %add3A_218 : f32 to vector<16xf32>
    %slice3A_220 = vector.extract_strided_slice %get3A_6 {offsets = [8], sizes = [1], strides = [1]} : vector<16xf32> to vector<1xf32>
    %squeeze3A_221 = vector.extract %slice3A_220[0] : f32 from vector<1xf32>
    %mul3A_222 = arith.mulf %squeeze3A, %squeeze3A_221 : f32
    %slice3A_223 = vector.extract_strided_slice %get3A_8 {offsets = [4], sizes = [1], strides = [1]} : vector<16xf32> to vector<1xf32>
    %squeeze3A_224 = vector.extract %slice3A_223[0] : f32 from vector<1xf32>
    %mul3A_225 = arith.mulf %squeeze3A_20, %squeeze3A_224 : f32
    %add3A_226 = arith.addf %mul3A_222, %mul3A_225 : f32
    %slice3A_227 = vector.extract_strided_slice %get3A_10 {offsets = [0], sizes = [1], strides = [1]} : vector<16xf32> to vector<1xf32>
    %squeeze3A_228 = vector.extract %slice3A_227[0] : f32 from vector<1xf32>
    %mul3A_229 = arith.mulf %squeeze3A_22, %squeeze3A_228 : f32
    %add3A_230 = arith.addf %add3A_226, %mul3A_229 : f32
    %slice3A_231 = vector.extract_strided_slice %get3A_10 {offsets = [12], sizes = [1], strides = [1]} : vector<16xf32> to vector<1xf32>
    %squeeze3A_232 = vector.extract %slice3A_231[0] : f32 from vector<1xf32>
    %mul3A_233 = arith.mulf %squeeze3A_24, %squeeze3A_232 : f32
    %add3A_234 = arith.addf %add3A_230, %mul3A_233 : f32
    %slice3A_235 = vector.extract_strided_slice %get3A_12 {offsets = [8], sizes = [1], strides = [1]} : vector<16xf32> to vector<1xf32>
    %squeeze3A_236 = vector.extract %slice3A_235[0] : f32 from vector<1xf32>
    %mul3A_237 = arith.mulf %squeeze3A_26, %squeeze3A_236 : f32
    %add3A_238 = arith.addf %add3A_234, %mul3A_237 : f32
    %slice3A_239 = vector.extract_strided_slice %get3A_14 {offsets = [4], sizes = [1], strides = [1]} : vector<16xf32> to vector<1xf32>
    %squeeze3A_240 = vector.extract %slice3A_239[0] : f32 from vector<1xf32>
    %mul3A_241 = arith.mulf %squeeze3A_28, %squeeze3A_240 : f32
    %add3A_242 = arith.addf %add3A_238, %mul3A_241 : f32
    %broadcast_in_dim3A_243 = vector.broadcast %add3A_242 : f32 to vector<16xf32>
    %slice3A_244 = vector.extract_strided_slice %get3A_6 {offsets = [9], sizes = [1], strides = [1]} : vector<16xf32> to vector<1xf32>
    %squeeze3A_245 = vector.extract %slice3A_244[0] : f32 from vector<1xf32>
    %mul3A_246 = arith.mulf %squeeze3A, %squeeze3A_245 : f32
    %slice3A_247 = vector.extract_strided_slice %get3A_8 {offsets = [5], sizes = [1], strides = [1]} : vector<16xf32> to vector<1xf32>
    %squeeze3A_248 = vector.extract %slice3A_247[0] : f32 from vector<1xf32>
    %mul3A_249 = arith.mulf %squeeze3A_20, %squeeze3A_248 : f32
    %add3A_250 = arith.addf %mul3A_246, %mul3A_249 : f32
    %slice3A_251 = vector.extract_strided_slice %get3A_10 {offsets = [1], sizes = [1], strides = [1]} : vector<16xf32> to vector<1xf32>
    %squeeze3A_252 = vector.extract %slice3A_251[0] : f32 from vector<1xf32>
    %mul3A_253 = arith.mulf %squeeze3A_22, %squeeze3A_252 : f32
    %add3A_254 = arith.addf %add3A_250, %mul3A_253 : f32
    %slice3A_255 = vector.extract_strided_slice %get3A_10 {offsets = [13], sizes = [1], strides = [1]} : vector<16xf32> to vector<1xf32>
    %squeeze3A_256 = vector.extract %slice3A_255[0] : f32 from vector<1xf32>
    %mul3A_257 = arith.mulf %squeeze3A_24, %squeeze3A_256 : f32
    %add3A_258 = arith.addf %add3A_254, %mul3A_257 : f32
    %slice3A_259 = vector.extract_strided_slice %get3A_12 {offsets = [9], sizes = [1], strides = [1]} : vector<16xf32> to vector<1xf32>
    %squeeze3A_260 = vector.extract %slice3A_259[0] : f32 from vector<1xf32>
    %mul3A_261 = arith.mulf %squeeze3A_26, %squeeze3A_260 : f32
    %add3A_262 = arith.addf %add3A_258, %mul3A_261 : f32
    %slice3A_263 = vector.extract_strided_slice %get3A_14 {offsets = [5], sizes = [1], strides = [1]} : vector<16xf32> to vector<1xf32>
    %squeeze3A_264 = vector.extract %slice3A_263[0] : f32 from vector<1xf32>
    %mul3A_265 = arith.mulf %squeeze3A_28, %squeeze3A_264 : f32
    %add3A_266 = arith.addf %add3A_262, %mul3A_265 : f32
    %broadcast_in_dim3A_267 = vector.broadcast %add3A_266 : f32 to vector<16xf32>
    %slice3A_268 = vector.extract_strided_slice %get3A_6 {offsets = [10], sizes = [1], strides = [1]} : vector<16xf32> to vector<1xf32>
    %squeeze3A_269 = vector.extract %slice3A_268[0] : f32 from vector<1xf32>
    %mul3A_270 = arith.mulf %squeeze3A, %squeeze3A_269 : f32
    %slice3A_271 = vector.extract_strided_slice %get3A_8 {offsets = [6], sizes = [1], strides = [1]} : vector<16xf32> to vector<1xf32>
    %squeeze3A_272 = vector.extract %slice3A_271[0] : f32 from vector<1xf32>
    %mul3A_273 = arith.mulf %squeeze3A_20, %squeeze3A_272 : f32
    %add3A_274 = arith.addf %mul3A_270, %mul3A_273 : f32
    %slice3A_275 = vector.extract_strided_slice %get3A_10 {offsets = [2], sizes = [1], strides = [1]} : vector<16xf32> to vector<1xf32>
    %squeeze3A_276 = vector.extract %slice3A_275[0] : f32 from vector<1xf32>
    %mul3A_277 = arith.mulf %squeeze3A_22, %squeeze3A_276 : f32
    %add3A_278 = arith.addf %add3A_274, %mul3A_277 : f32
    %slice3A_279 = vector.extract_strided_slice %get3A_10 {offsets = [14], sizes = [1], strides = [1]} : vector<16xf32> to vector<1xf32>
    %squeeze3A_280 = vector.extract %slice3A_279[0] : f32 from vector<1xf32>
    %mul3A_281 = arith.mulf %squeeze3A_24, %squeeze3A_280 : f32
    %add3A_282 = arith.addf %add3A_278, %mul3A_281 : f32
    %slice3A_283 = vector.extract_strided_slice %get3A_12 {offsets = [10], sizes = [1], strides = [1]} : vector<16xf32> to vector<1xf32>
    %squeeze3A_284 = vector.extract %slice3A_283[0] : f32 from vector<1xf32>
    %mul3A_285 = arith.mulf %squeeze3A_26, %squeeze3A_284 : f32
    %add3A_286 = arith.addf %add3A_282, %mul3A_285 : f32
    %slice3A_287 = vector.extract_strided_slice %get3A_14 {offsets = [6], sizes = [1], strides = [1]} : vector<16xf32> to vector<1xf32>
    %squeeze3A_288 = vector.extract %slice3A_287[0] : f32 from vector<1xf32>
    %mul3A_289 = arith.mulf %squeeze3A_28, %squeeze3A_288 : f32
    %add3A_290 = arith.addf %add3A_286, %mul3A_289 : f32
    %broadcast_in_dim3A_291 = vector.broadcast %add3A_290 : f32 to vector<16xf32>
    %slice3A_292 = vector.extract_strided_slice %get3A_6 {offsets = [11], sizes = [1], strides = [1]} : vector<16xf32> to vector<1xf32>
    %squeeze3A_293 = vector.extract %slice3A_292[0] : f32 from vector<1xf32>
    %mul3A_294 = arith.mulf %squeeze3A, %squeeze3A_293 : f32
    %slice3A_295 = vector.extract_strided_slice %get3A_8 {offsets = [7], sizes = [1], strides = [1]} : vector<16xf32> to vector<1xf32>
    %squeeze3A_296 = vector.extract %slice3A_295[0] : f32 from vector<1xf32>
    %mul3A_297 = arith.mulf %squeeze3A_20, %squeeze3A_296 : f32
    %add3A_298 = arith.addf %mul3A_294, %mul3A_297 : f32
    %slice3A_299 = vector.extract_strided_slice %get3A_10 {offsets = [3], sizes = [1], strides = [1]} : vector<16xf32> to vector<1xf32>
    %squeeze3A_300 = vector.extract %slice3A_299[0] : f32 from vector<1xf32>
    %mul3A_301 = arith.mulf %squeeze3A_22, %squeeze3A_300 : f32
    %add3A_302 = arith.addf %add3A_298, %mul3A_301 : f32
    %slice3A_303 = vector.extract_strided_slice %get3A_10 {offsets = [15], sizes = [1], strides = [1]} : vector<16xf32> to vector<1xf32>
    %squeeze3A_304 = vector.extract %slice3A_303[0] : f32 from vector<1xf32>
    %mul3A_305 = arith.mulf %squeeze3A_24, %squeeze3A_304 : f32
    %add3A_306 = arith.addf %add3A_302, %mul3A_305 : f32
    %slice3A_307 = vector.extract_strided_slice %get3A_12 {offsets = [11], sizes = [1], strides = [1]} : vector<16xf32> to vector<1xf32>
    %squeeze3A_308 = vector.extract %slice3A_307[0] : f32 from vector<1xf32>
    %mul3A_309 = arith.mulf %squeeze3A_26, %squeeze3A_308 : f32
    %add3A_310 = arith.addf %add3A_306, %mul3A_309 : f32
    %slice3A_311 = vector.extract_strided_slice %get3A_14 {offsets = [7], sizes = [1], strides = [1]} : vector<16xf32> to vector<1xf32>
    %squeeze3A_312 = vector.extract %slice3A_311[0] : f32 from vector<1xf32>
    %mul3A_313 = arith.mulf %squeeze3A_28, %squeeze3A_312 : f32
    %add3A_314 = arith.addf %add3A_310, %mul3A_313 : f32
    %broadcast_in_dim3A_315 = vector.broadcast %add3A_314 : f32 to vector<16xf32>
    %iota3A = tpu.iota {dimensions = array<i32: 0>} : vector<16xi32>
    %add3A_316 = arith.constant 0 : i32
    %add3A_317 = vector.broadcast %add3A_316 : i32 to vector<16xi32>
    %add3A_318 = arith.addi %iota3A, %add3A_317 : vector<16xi32>
    %mul3A_319 = arith.constant 6 : i32
    %mul3A_320 = vector.broadcast %mul3A_319 : i32 to vector<16xi32>
    %mul3A_321 = arith.muli %add3A_318, %mul3A_320 : vector<16xi32>
    %broadcast_in_dim3A_322 = arith.constant 0.000000e+00 : f32
    %broadcast_in_dim3A_323 = vector.broadcast %broadcast_in_dim3A_322 : f32 to vector<16xf32>
    %broadcast_in_dim3A_324 = arith.constant 0.000000e+00 : f32
    %broadcast_in_dim3A_325 = vector.broadcast %broadcast_in_dim3A_324 : f32 to vector<16xf32>
    %add3A_326 = arith.constant 0 : i32
    %add3A_327 = vector.broadcast %add3A_326 : i32 to vector<16xi32>
    %add3A_328 = arith.addi %mul3A_321, %add3A_327 : vector<16xi32>
    %gather3A = tpu.vector_load_idx %arg6[%add3A_328] : memref<448xf32, #tpu.memory_space<vmem>>[vector<16xi32>], vector<16xf32>,
    %mul3A_329 = arith.mulf %broadcast_in_dim3A, %gather3A : vector<16xf32>
    %add3A_330 = arith.addf %broadcast_in_dim3A_323, %mul3A_329 : vector<16xf32>
    %add3A_331 = arith.constant 144 : i32
    %add3A_332 = vector.broadcast %add3A_331 : i32 to vector<16xi32>
    %add3A_333 = arith.addi %add3A_332, %mul3A_321 : vector<16xi32>
    %add3A_334 = arith.constant 0 : i32
    %add3A_335 = vector.broadcast %add3A_334 : i32 to vector<16xi32>
    %add3A_336 = arith.addi %add3A_333, %add3A_335 : vector<16xi32>
    %gather3A_337 = tpu.vector_load_idx %arg6[%add3A_336] : memref<448xf32, #tpu.memory_space<vmem>>[vector<16xi32>], vector<16xf32>,
    %mul3A_338 = arith.mulf %broadcast_in_dim3A_195, %gather3A_337 : vector<16xf32>
    %add3A_339 = arith.addf %broadcast_in_dim3A_325, %mul3A_338 : vector<16xf32>
    %add3A_340 = arith.constant 1 : i32
    %add3A_341 = vector.broadcast %add3A_340 : i32 to vector<16xi32>
    %add3A_342 = arith.addi %mul3A_321, %add3A_341 : vector<16xi32>
    %gather3A_343 = tpu.vector_load_idx %arg6[%add3A_342] : memref<448xf32, #tpu.memory_space<vmem>>[vector<16xi32>], vector<16xf32>,
    %mul3A_344 = arith.mulf %broadcast_in_dim3A_75, %gather3A_343 : vector<16xf32>
    %add3A_345 = arith.addf %add3A_330, %mul3A_344 : vector<16xf32>
    %add3A_346 = arith.constant 144 : i32
    %add3A_347 = vector.broadcast %add3A_346 : i32 to vector<16xi32>
    %add3A_348 = arith.addi %add3A_347, %mul3A_321 : vector<16xi32>
    %add3A_349 = arith.constant 1 : i32
    %add3A_350 = vector.broadcast %add3A_349 : i32 to vector<16xi32>
    %add3A_351 = arith.addi %add3A_348, %add3A_350 : vector<16xi32>
    %gather3A_352 = tpu.vector_load_idx %arg6[%add3A_351] : memref<448xf32, #tpu.memory_space<vmem>>[vector<16xi32>], vector<16xf32>,
    %mul3A_353 = arith.mulf %broadcast_in_dim3A_219, %gather3A_352 : vector<16xf32>
    %add3A_354 = arith.addf %add3A_339, %mul3A_353 : vector<16xf32>
    %add3A_355 = arith.constant 2 : i32
    %add3A_356 = vector.broadcast %add3A_355 : i32 to vector<16xi32>
    %add3A_357 = arith.addi %mul3A_321, %add3A_356 : vector<16xi32>
    %gather3A_358 = tpu.vector_load_idx %arg6[%add3A_357] : memref<448xf32, #tpu.memory_space<vmem>>[vector<16xi32>], vector<16xf32>,
    %mul3A_359 = arith.mulf %broadcast_in_dim3A_99, %gather3A_358 : vector<16xf32>
    %add3A_360 = arith.addf %add3A_345, %mul3A_359 : vector<16xf32>
    %add3A_361 = arith.constant 144 : i32
    %add3A_362 = vector.broadcast %add3A_361 : i32 to vector<16xi32>
    %add3A_363 = arith.addi %add3A_362, %mul3A_321 : vector<16xi32>
    %add3A_364 = arith.constant 2 : i32
    %add3A_365 = vector.broadcast %add3A_364 : i32 to vector<16xi32>
    %add3A_366 = arith.addi %add3A_363, %add3A_365 : vector<16xi32>
    %gather3A_367 = tpu.vector_load_idx %arg6[%add3A_366] : memref<448xf32, #tpu.memory_space<vmem>>[vector<16xi32>], vector<16xf32>,
    %mul3A_368 = arith.mulf %broadcast_in_dim3A_243, %gather3A_367 : vector<16xf32>
    %add3A_369 = arith.addf %add3A_354, %mul3A_368 : vector<16xf32>
    %add3A_370 = arith.constant 3 : i32
    %add3A_371 = vector.broadcast %add3A_370 : i32 to vector<16xi32>
    %add3A_372 = arith.addi %mul3A_321, %add3A_371 : vector<16xi32>
    %gather3A_373 = tpu.vector_load_idx %arg6[%add3A_372] : memref<448xf32, #tpu.memory_space<vmem>>[vector<16xi32>], vector<16xf32>,
    %mul3A_374 = arith.mulf %broadcast_in_dim3A_123, %gather3A_373 : vector<16xf32>
    %add3A_375 = arith.addf %add3A_360, %mul3A_374 : vector<16xf32>
    %add3A_376 = arith.constant 144 : i32
    %add3A_377 = vector.broadcast %add3A_376 : i32 to vector<16xi32>
    %add3A_378 = arith.addi %add3A_377, %mul3A_321 : vector<16xi32>
    %add3A_379 = arith.constant 3 : i32
    %add3A_380 = vector.broadcast %add3A_379 : i32 to vector<16xi32>
    %add3A_381 = arith.addi %add3A_378, %add3A_380 : vector<16xi32>
    %gather3A_382 = tpu.vector_load_idx %arg6[%add3A_381] : memref<448xf32, #tpu.memory_space<vmem>>[vector<16xi32>], vector<16xf32>,
    %mul3A_383 = arith.mulf %broadcast_in_dim3A_267, %gather3A_382 : vector<16xf32>
    %add3A_384 = arith.addf %add3A_369, %mul3A_383 : vector<16xf32>
    %add3A_385 = arith.constant 4 : i32
    %add3A_386 = vector.broadcast %add3A_385 : i32 to vector<16xi32>
    %add3A_387 = arith.addi %mul3A_321, %add3A_386 : vector<16xi32>
    %gather3A_388 = tpu.vector_load_idx %arg6[%add3A_387] : memref<448xf32, #tpu.memory_space<vmem>>[vector<16xi32>], vector<16xf32>,
    %mul3A_389 = arith.mulf %broadcast_in_dim3A_147, %gather3A_388 : vector<16xf32>
    %add3A_390 = arith.addf %add3A_375, %mul3A_389 : vector<16xf32>
    %add3A_391 = arith.constant 144 : i32
    %add3A_392 = vector.broadcast %add3A_391 : i32 to vector<16xi32>
    %add3A_393 = arith.addi %add3A_392, %mul3A_321 : vector<16xi32>
    %add3A_394 = arith.constant 4 : i32
    %add3A_395 = vector.broadcast %add3A_394 : i32 to vector<16xi32>
    %add3A_396 = arith.addi %add3A_393, %add3A_395 : vector<16xi32>
    %gather3A_397 = tpu.vector_load_idx %arg6[%add3A_396] : memref<448xf32, #tpu.memory_space<vmem>>[vector<16xi32>], vector<16xf32>,
    %mul3A_398 = arith.mulf %broadcast_in_dim3A_291, %gather3A_397 : vector<16xf32>
    %add3A_399 = arith.addf %add3A_384, %mul3A_398 : vector<16xf32>
    %add3A_400 = arith.constant 5 : i32
    %add3A_401 = vector.broadcast %add3A_400 : i32 to vector<16xi32>
    %add3A_402 = arith.addi %mul3A_321, %add3A_401 : vector<16xi32>
    %gather3A_403 = tpu.vector_load_idx %arg6[%add3A_402] : memref<448xf32, #tpu.memory_space<vmem>>[vector<16xi32>], vector<16xf32>,
    %mul3A_404 = arith.mulf %broadcast_in_dim3A_171, %gather3A_403 : vector<16xf32>
    %add3A_405 = arith.addf %add3A_390, %mul3A_404 : vector<16xf32>
    %add3A_406 = arith.constant 144 : i32
    %add3A_407 = vector.broadcast %add3A_406 : i32 to vector<16xi32>
    %add3A_408 = arith.addi %add3A_407, %mul3A_321 : vector<16xi32>
    %add3A_409 = arith.constant 5 : i32
    %add3A_410 = vector.broadcast %add3A_409 : i32 to vector<16xi32>
    %add3A_411 = arith.addi %add3A_408, %add3A_410 : vector<16xi32>
    %gather3A_412 = tpu.vector_load_idx %arg6[%add3A_411] : memref<448xf32, #tpu.memory_space<vmem>>[vector<16xi32>], vector<16xf32>,
    %mul3A_413 = arith.mulf %broadcast_in_dim3A_315, %gather3A_412 : vector<16xf32>
    %add3A_414 = arith.addf %add3A_399, %mul3A_413 : vector<16xf32>
    %swap3A = arith.constant 0 : index
    %swap3A_415 = tpu.vector_load %arg7[%swap3A] {strides = array<i32>} : memref<64xf32, #tpu.memory_space<vmem>>, vector<16xf32>,
    tpu.vector_store %arg7[%swap3A], %add3A_405 {strides = array<i32>} : memref<64xf32, #tpu.memory_space<vmem>>, vector<16xf32>,
    %swap3A_416 = arith.constant 32 : index
    %swap3A_417 = tpu.vector_load %arg7[%swap3A_416] {strides = array<i32>} : memref<64xf32, #tpu.memory_space<vmem>>, vector<16xf32>,
    tpu.vector_store %arg7[%swap3A_416], %add3A_414 {strides = array<i32>} : memref<64xf32, #tpu.memory_space<vmem>>, vector<16xf32>,
    %add3A_418 = arith.constant 16 : i32
    %add3A_419 = vector.broadcast %add3A_418 : i32 to vector<16xi32>
    %add3A_420 = arith.addi %iota3A, %add3A_419 : vector<16xi32>
    %mul3A_421 = arith.constant 6 : i32
    %mul3A_422 = vector.broadcast %mul3A_421 : i32 to vector<16xi32>
    %mul3A_423 = arith.muli %add3A_420, %mul3A_422 : vector<16xi32>
    %broadcast_in_dim3A_424 = arith.constant 0.000000e+00 : f32
    %broadcast_in_dim3A_425 = vector.broadcast %broadcast_in_dim3A_424 : f32 to vector<16xf32>
    %broadcast_in_dim3A_426 = arith.constant 0.000000e+00 : f32
    %broadcast_in_dim3A_427 = vector.broadcast %broadcast_in_dim3A_426 : f32 to vector<16xf32>
    %add3A_428 = arith.constant 0 : i32
    %add3A_429 = vector.broadcast %add3A_428 : i32 to vector<16xi32>
    %add3A_430 = arith.addi %mul3A_423, %add3A_429 : vector<16xi32>
    %min3A = arith.constant 143 : i32
    %min3A_431 = vector.broadcast %min3A : i32 to vector<16xi32>
    %min3A_432 = arith.minsi %add3A_430, %min3A_431 : vector<16xi32>
    %gather3A_433 = tpu.vector_load_idx %arg6[%min3A_432] : memref<448xf32, #tpu.memory_space<vmem>>[vector<16xi32>], vector<16xf32>,
    %mul3A_434 = arith.mulf %broadcast_in_dim3A, %gather3A_433 : vector<16xf32>
    %add3A_435 = arith.addf %broadcast_in_dim3A_425, %mul3A_434 : vector<16xf32>
    %add3A_436 = arith.constant 144 : i32
    %add3A_437 = vector.broadcast %add3A_436 : i32 to vector<16xi32>
    %add3A_438 = arith.addi %add3A_437, %mul3A_423 : vector<16xi32>
    %add3A_439 = arith.constant 0 : i32
    %add3A_440 = vector.broadcast %add3A_439 : i32 to vector<16xi32>
    %add3A_441 = arith.addi %add3A_438, %add3A_440 : vector<16xi32>
    %gather3A_442 = tpu.vector_load_idx %arg6[%add3A_441] : memref<448xf32, #tpu.memory_space<vmem>>[vector<16xi32>], vector<16xf32>,
    %mul3A_443 = arith.mulf %broadcast_in_dim3A_195, %gather3A_442 : vector<16xf32>
    %add3A_444 = arith.addf %broadcast_in_dim3A_427, %mul3A_443 : vector<16xf32>
    %add3A_445 = arith.constant 1 : i32
    %add3A_446 = vector.broadcast %add3A_445 : i32 to vector<16xi32>
    %add3A_447 = arith.addi %mul3A_423, %add3A_446 : vector<16xi32>
    %min3A_448 = arith.constant 143 : i32
    %min3A_449 = vector.broadcast %min3A_448 : i32 to vector<16xi32>
    %min3A_450 = arith.minsi %add3A_447, %min3A_449 : vector<16xi32>
    %gather3A_451 = tpu.vector_load_idx %arg6[%min3A_450] : memref<448xf32, #tpu.memory_space<vmem>>[vector<16xi32>], vector<16xf32>,
    %mul3A_452 = arith.mulf %broadcast_in_dim3A_75, %gather3A_451 : vector<16xf32>
    %add3A_453 = arith.addf %add3A_435, %mul3A_452 : vector<16xf32>
    %add3A_454 = arith.constant 144 : i32
    %add3A_455 = vector.broadcast %add3A_454 : i32 to vector<16xi32>
    %add3A_456 = arith.addi %add3A_455, %mul3A_423 : vector<16xi32>
    %add3A_457 = arith.constant 1 : i32
    %add3A_458 = vector.broadcast %add3A_457 : i32 to vector<16xi32>
    %add3A_459 = arith.addi %add3A_456, %add3A_458 : vector<16xi32>
    %gather3A_460 = tpu.vector_load_idx %arg6[%add3A_459] : memref<448xf32, #tpu.memory_space<vmem>>[vector<16xi32>], vector<16xf32>,
    %mul3A_461 = arith.mulf %broadcast_in_dim3A_219, %gather3A_460 : vector<16xf32>
    %add3A_462 = arith.addf %add3A_444, %mul3A_461 : vector<16xf32>
    %add3A_463 = arith.constant 2 : i32
    %add3A_464 = vector.broadcast %add3A_463 : i32 to vector<16xi32>
    %add3A_465 = arith.addi %mul3A_423, %add3A_464 : vector<16xi32>
    %min3A_466 = arith.constant 143 : i32
    %min3A_467 = vector.broadcast %min3A_466 : i32 to vector<16xi32>
    %min3A_468 = arith.minsi %add3A_465, %min3A_467 : vector<16xi32>
    %gather3A_469 = tpu.vector_load_idx %arg6[%min3A_468] : memref<448xf32, #tpu.memory_space<vmem>>[vector<16xi32>], vector<16xf32>,
    %mul3A_470 = arith.mulf %broadcast_in_dim3A_99, %gather3A_469 : vector<16xf32>
    %add3A_471 = arith.addf %add3A_453, %mul3A_470 : vector<16xf32>
    %add3A_472 = arith.constant 144 : i32
    %add3A_473 = vector.broadcast %add3A_472 : i32 to vector<16xi32>
    %add3A_474 = arith.addi %add3A_473, %mul3A_423 : vector<16xi32>
    %add3A_475 = arith.constant 2 : i32
    %add3A_476 = vector.broadcast %add3A_475 : i32 to vector<16xi32>
    %add3A_477 = arith.addi %add3A_474, %add3A_476 : vector<16xi32>
    %gather3A_478 = tpu.vector_load_idx %arg6[%add3A_477] : memref<448xf32, #tpu.memory_space<vmem>>[vector<16xi32>], vector<16xf32>,
    %mul3A_479 = arith.mulf %broadcast_in_dim3A_243, %gather3A_478 : vector<16xf32>
    %add3A_480 = arith.addf %add3A_462, %mul3A_479 : vector<16xf32>
    %add3A_481 = arith.constant 3 : i32
    %add3A_482 = vector.broadcast %add3A_481 : i32 to vector<16xi32>
    %add3A_483 = arith.addi %mul3A_423, %add3A_482 : vector<16xi32>
    %min3A_484 = arith.constant 143 : i32
    %min3A_485 = vector.broadcast %min3A_484 : i32 to vector<16xi32>
    %min3A_486 = arith.minsi %add3A_483, %min3A_485 : vector<16xi32>
    %gather3A_487 = tpu.vector_load_idx %arg6[%min3A_486] : memref<448xf32, #tpu.memory_space<vmem>>[vector<16xi32>], vector<16xf32>,
    %mul3A_488 = arith.mulf %broadcast_in_dim3A_123, %gather3A_487 : vector<16xf32>
    %add3A_489 = arith.addf %add3A_471, %mul3A_488 : vector<16xf32>
    %add3A_490 = arith.constant 144 : i32
    %add3A_491 = vector.broadcast %add3A_490 : i32 to vector<16xi32>
    %add3A_492 = arith.addi %add3A_491, %mul3A_423 : vector<16xi32>
    %add3A_493 = arith.constant 3 : i32
    %add3A_494 = vector.broadcast %add3A_493 : i32 to vector<16xi32>
    %add3A_495 = arith.addi %add3A_492, %add3A_494 : vector<16xi32>
    %gather3A_496 = tpu.vector_load_idx %arg6[%add3A_495] : memref<448xf32, #tpu.memory_space<vmem>>[vector<16xi32>], vector<16xf32>,
    %mul3A_497 = arith.mulf %broadcast_in_dim3A_267, %gather3A_496 : vector<16xf32>
    %add3A_498 = arith.addf %add3A_480, %mul3A_497 : vector<16xf32>
    %add3A_499 = arith.constant 4 : i32
    %add3A_500 = vector.broadcast %add3A_499 : i32 to vector<16xi32>
    %add3A_501 = arith.addi %mul3A_423, %add3A_500 : vector<16xi32>
    %min3A_502 = arith.constant 143 : i32
    %min3A_503 = vector.broadcast %min3A_502 : i32 to vector<16xi32>
    %min3A_504 = arith.minsi %add3A_501, %min3A_503 : vector<16xi32>
    %gather3A_505 = tpu.vector_load_idx %arg6[%min3A_504] : memref<448xf32, #tpu.memory_space<vmem>>[vector<16xi32>], vector<16xf32>,
    %mul3A_506 = arith.mulf %broadcast_in_dim3A_147, %gather3A_505 : vector<16xf32>
    %add3A_507 = arith.addf %add3A_489, %mul3A_506 : vector<16xf32>
    %add3A_508 = arith.constant 144 : i32
    %add3A_509 = vector.broadcast %add3A_508 : i32 to vector<16xi32>
    %add3A_510 = arith.addi %add3A_509, %mul3A_423 : vector<16xi32>
    %add3A_511 = arith.constant 4 : i32
    %add3A_512 = vector.broadcast %add3A_511 : i32 to vector<16xi32>
    %add3A_513 = arith.addi %add3A_510, %add3A_512 : vector<16xi32>
    %gather3A_514 = tpu.vector_load_idx %arg6[%add3A_513] : memref<448xf32, #tpu.memory_space<vmem>>[vector<16xi32>], vector<16xf32>,
    %mul3A_515 = arith.mulf %broadcast_in_dim3A_291, %gather3A_514 : vector<16xf32>
    %add3A_516 = arith.addf %add3A_498, %mul3A_515 : vector<16xf32>
    %add3A_517 = arith.constant 5 : i32
    %add3A_518 = vector.broadcast %add3A_517 : i32 to vector<16xi32>
    %add3A_519 = arith.addi %mul3A_423, %add3A_518 : vector<16xi32>
    %min3A_520 = arith.constant 143 : i32
    %min3A_521 = vector.broadcast %min3A_520 : i32 to vector<16xi32>
    %min3A_522 = arith.minsi %add3A_519, %min3A_521 : vector<16xi32>
    %gather3A_523 = tpu.vector_load_idx %arg6[%min3A_522] : memref<448xf32, #tpu.memory_space<vmem>>[vector<16xi32>], vector<16xf32>,
    %mul3A_524 = arith.mulf %broadcast_in_dim3A_171, %gather3A_523 : vector<16xf32>
    %add3A_525 = arith.addf %add3A_507, %mul3A_524 : vector<16xf32>
    %add3A_526 = arith.constant 144 : i32
    %add3A_527 = vector.broadcast %add3A_526 : i32 to vector<16xi32>
    %add3A_528 = arith.addi %add3A_527, %mul3A_423 : vector<16xi32>
    %add3A_529 = arith.constant 5 : i32
    %add3A_530 = vector.broadcast %add3A_529 : i32 to vector<16xi32>
    %add3A_531 = arith.addi %add3A_528, %add3A_530 : vector<16xi32>
    %gather3A_532 = tpu.vector_load_idx %arg6[%add3A_531] : memref<448xf32, #tpu.memory_space<vmem>>[vector<16xi32>], vector<16xf32>,
    %mul3A_533 = arith.mulf %broadcast_in_dim3A_315, %gather3A_532 : vector<16xf32>
    %add3A_534 = arith.addf %add3A_516, %mul3A_533 : vector<16xf32>
    %swap3A_535 = arith.constant 16 : index
    %swap3A_536 = tpu.vector_load %arg7[%swap3A_535] {strides = array<i32>} : memref<64xf32, #tpu.memory_space<vmem>>, vector<16xf32>,
    tpu.vector_store %arg7[%swap3A_535], %add3A_525 {strides = array<i32>} : memref<64xf32, #tpu.memory_space<vmem>>, vector<16xf32>,
    %swap3A_537 = arith.constant 48 : index
    %swap3A_538 = tpu.vector_load %arg7[%swap3A_537] {strides = array<i32>} : memref<64xf32, #tpu.memory_space<vmem>>, vector<16xf32>,
    tpu.vector_store %arg7[%swap3A_537], %add3A_534 {strides = array<i32>} : memref<64xf32, #tpu.memory_space<vmem>>, vector<16xf32>,
    %barrier3A_539 = arith.constant 0 : index
    tpu.barrier barrier_id(%barrier3A_539)
    %slice3A_540 = vector.extract_strided_slice %get3A_18 {offsets = [1], sizes = [1], strides = [1]} : vector<16xf32> to vector<1xf32>
    %squeeze3A_541 = vector.extract %slice3A_540[0] : f32 from vector<1xf32>
    %slice3A_542 = vector.extract_strided_slice %get3A_14 {offsets = [8], sizes = [1], strides = [1]} : vector<16xf32> to vector<1xf32>
    %squeeze3A_543 = vector.extract %slice3A_542[0] : f32 from vector<1xf32>
    %mul3A_544 = arith.mulf %squeeze3A, %squeeze3A_543 : f32
    %add3A_545 = arith.addf %squeeze3A_541, %mul3A_544 : f32
    %slice3A_546 = vector.extract_strided_slice %get3A_14 {offsets = [9], sizes = [1], strides = [1]} : vector<16xf32> to vector<1xf32>
    %squeeze3A_547 = vector.extract %slice3A_546[0] : f32 from vector<1xf32>
    %mul3A_548 = arith.mulf %squeeze3A_20, %squeeze3A_547 : f32
    %add3A_549 = arith.addf %add3A_545, %mul3A_548 : f32
    %slice3A_550 = vector.extract_strided_slice %get3A_14 {offsets = [10], sizes = [1], strides = [1]} : vector<16xf32> to vector<1xf32>
    %squeeze3A_551 = vector.extract %slice3A_550[0] : f32 from vector<1xf32>
    %mul3A_552 = arith.mulf %squeeze3A_22, %squeeze3A_551 : f32
    %add3A_553 = arith.addf %add3A_549, %mul3A_552 : f32
    %slice3A_554 = vector.extract_strided_slice %get3A_14 {offsets = [11], sizes = [1], strides = [1]} : vector<16xf32> to vector<1xf32>
    %squeeze3A_555 = vector.extract %slice3A_554[0] : f32 from vector<1xf32>
    %mul3A_556 = arith.mulf %squeeze3A_24, %squeeze3A_555 : f32
    %add3A_557 = arith.addf %add3A_553, %mul3A_556 : f32
    %slice3A_558 = vector.extract_strided_slice %get3A_14 {offsets = [12], sizes = [1], strides = [1]} : vector<16xf32> to vector<1xf32>
    %squeeze3A_559 = vector.extract %slice3A_558[0] : f32 from vector<1xf32>
    %mul3A_560 = arith.mulf %squeeze3A_26, %squeeze3A_559 : f32
    %add3A_561 = arith.addf %add3A_557, %mul3A_560 : f32
    %slice3A_562 = vector.extract_strided_slice %get3A_14 {offsets = [13], sizes = [1], strides = [1]} : vector<16xf32> to vector<1xf32>
    %squeeze3A_563 = vector.extract %slice3A_562[0] : f32 from vector<1xf32>
    %mul3A_564 = arith.mulf %squeeze3A_28, %squeeze3A_563 : f32
    %add3A_565 = arith.addf %add3A_561, %mul3A_564 : f32
    %broadcast_in_dim3A_566 = vector.broadcast %add3A_565 : f32 to vector<16xf32>
    %slice3A_567 = vector.extract_strided_slice %get3A_16 {offsets = [4], sizes = [1], strides = [1]} : vector<16xf32> to vector<1xf32>
    %squeeze3A_568 = vector.extract %slice3A_567[0] : f32 from vector<1xf32>
    %broadcast_in_dim3A_569 = vector.broadcast %squeeze3A_568 : f32 to vector<16xf32>
    %slice3A_570 = vector.extract_strided_slice %get3A_16 {offsets = [5], sizes = [1], strides = [1]} : vector<16xf32> to vector<1xf32>
    %squeeze3A_571 = vector.extract %slice3A_570[0] : f32 from vector<1xf32>
    %broadcast_in_dim3A_572 = vector.broadcast %squeeze3A_571 : f32 to vector<16xf32>
    %slice3A_573 = vector.extract_strided_slice %get3A_16 {offsets = [6], sizes = [1], strides = [1]} : vector<16xf32> to vector<1xf32>
    %squeeze3A_574 = vector.extract %slice3A_573[0] : f32 from vector<1xf32>
    %broadcast_in_dim3A_575 = vector.broadcast %squeeze3A_574 : f32 to vector<16xf32>
    %slice3A_576 = vector.extract_strided_slice %get3A_16 {offsets = [7], sizes = [1], strides = [1]} : vector<16xf32> to vector<1xf32>
    %squeeze3A_577 = vector.extract %slice3A_576[0] : f32 from vector<1xf32>
    %broadcast_in_dim3A_578 = vector.broadcast %squeeze3A_577 : f32 to vector<16xf32>
    %slice3A_579 = vector.extract_strided_slice %get3A_16 {offsets = [8], sizes = [1], strides = [1]} : vector<16xf32> to vector<1xf32>
    %squeeze3A_580 = vector.extract %slice3A_579[0] : f32 from vector<1xf32>
    %broadcast_in_dim3A_581 = vector.broadcast %squeeze3A_580 : f32 to vector<16xf32>
    %slice3A_582 = vector.extract_strided_slice %get3A_16 {offsets = [9], sizes = [1], strides = [1]} : vector<16xf32> to vector<1xf32>
    %squeeze3A_583 = vector.extract %slice3A_582[0] : f32 from vector<1xf32>
    %broadcast_in_dim3A_584 = vector.broadcast %squeeze3A_583 : f32 to vector<16xf32>
    %slice3A_585 = vector.extract_strided_slice %get3A_16 {offsets = [10], sizes = [1], strides = [1]} : vector<16xf32> to vector<1xf32>
    %squeeze3A_586 = vector.extract %slice3A_585[0] : f32 from vector<1xf32>
    %broadcast_in_dim3A_587 = vector.broadcast %squeeze3A_586 : f32 to vector<16xf32>
    %slice3A_588 = vector.extract_strided_slice %get3A_16 {offsets = [11], sizes = [1], strides = [1]} : vector<16xf32> to vector<1xf32>
    %squeeze3A_589 = vector.extract %slice3A_588[0] : f32 from vector<1xf32>
    %broadcast_in_dim3A_590 = vector.broadcast %squeeze3A_589 : f32 to vector<16xf32>
    %slice3A_591 = vector.extract_strided_slice %get3A_16 {offsets = [12], sizes = [1], strides = [1]} : vector<16xf32> to vector<1xf32>
    %squeeze3A_592 = vector.extract %slice3A_591[0] : f32 from vector<1xf32>
    %broadcast_in_dim3A_593 = vector.broadcast %squeeze3A_592 : f32 to vector<16xf32>
    %slice3A_594 = vector.extract_strided_slice %get3A_16 {offsets = [13], sizes = [1], strides = [1]} : vector<16xf32> to vector<1xf32>
    %squeeze3A_595 = vector.extract %slice3A_594[0] : f32 from vector<1xf32>
    %broadcast_in_dim3A_596 = vector.broadcast %squeeze3A_595 : f32 to vector<16xf32>
    %slice3A_597 = vector.extract_strided_slice %get3A_16 {offsets = [14], sizes = [1], strides = [1]} : vector<16xf32> to vector<1xf32>
    %squeeze3A_598 = vector.extract %slice3A_597[0] : f32 from vector<1xf32>
    %broadcast_in_dim3A_599 = vector.broadcast %squeeze3A_598 : f32 to vector<16xf32>
    %slice3A_600 = vector.extract_strided_slice %get3A_16 {offsets = [15], sizes = [1], strides = [1]} : vector<16xf32> to vector<1xf32>
    %squeeze3A_601 = vector.extract %slice3A_600[0] : f32 from vector<1xf32>
    %broadcast_in_dim3A_602 = vector.broadcast %squeeze3A_601 : f32 to vector<16xf32>
    %slice3A_603 = vector.extract_strided_slice %get3A_18 {offsets = [0], sizes = [1], strides = [1]} : vector<16xf32> to vector<1xf32>
    %squeeze3A_604 = vector.extract %slice3A_603[0] : f32 from vector<1xf32>
    %broadcast_in_dim3A_605 = vector.broadcast %squeeze3A_604 : f32 to vector<16xf32>
    %mul3A_606 = arith.constant 15 : i32
    %mul3A_607 = vector.broadcast %mul3A_606 : i32 to vector<16xi32>
    %mul3A_608 = arith.muli %iota3A, %mul3A_607 : vector<16xi32>
    %dma_wait3A = tpu.memref_slice %arg2[%mul3A_2] : memref<245760xf32, #tpu.memory_space<hbm>> -> memref<7680xf32, #tpu.memory_space<hbm>>
    %dma_wait3A_609 = tpu.memref_slice %arg2[%mul3A_2] : memref<245760xf32, #tpu.memory_space<hbm>> -> memref<7680xf32, #tpu.memory_space<hbm>>
    tpu.wait_dma2 semaphore(%arg10 : memref<!tpu.dma_semaphore, #tpu.memory_space<semaphore_mem>>) src(%dma_wait3A_609 : memref<7680xf32, #tpu.memory_space<hbm>>) dst(%arg5 : memref<7680xf32, #tpu.memory_space<vmem>>)
    %scan3A = arith.constant 0 : i32
    %scan3A_610 = arith.constant 0 : i32
    %scan3A_611 = arith.constant 8 : i32
    %scan3A_612 = arith.addi %scan3A_610, %scan3A_611 : i32
    %scan3A_613 = arith.constant 1 : i32
    scf.for %scan3A_617 = %scan3A_610 to %scan3A_612 step %scan3A_613  : i32 {
      %mul3A_618 = arith.constant 4 : i32
      %mul3A_619 = arith.muli %scan3A_617, %mul3A_618 : i32
      %add3A_620 = arith.constant 0 : i32
      %add3A_621 = arith.addi %mul3A_619, %add3A_620 : i32
      %mul3A_622 = arith.constant 240 : i32
      %mul3A_623 = arith.muli %add3A_621, %mul3A_622 : i32
      %add3A_624 = vector.broadcast %mul3A_623 : i32 to vector<16xi32>
      %add3A_625 = arith.addi %mul3A_608, %add3A_624 : vector<16xi32>
      %add3A_626 = arith.constant 13 : i32
      %add3A_627 = vector.broadcast %add3A_626 : i32 to vector<16xi32>
      %add3A_628 = arith.addi %add3A_625, %add3A_627 : vector<16xi32>
      %gather3A_629 = tpu.vector_load_idx %arg5[%add3A_628] : memref<7680xf32, #tpu.memory_space<vmem>>[vector<16xi32>], vector<16xf32>,
      %convert_element_type3A_630 = arith.fptosi %gather3A_629 : vector<16xf32> to vector<16xi32>
      %add3A_631 = arith.constant 14 : i32
      %add3A_632 = vector.broadcast %add3A_631 : i32 to vector<16xi32>
      %add3A_633 = arith.addi %add3A_625, %add3A_632 : vector<16xi32>
      %gather3A_634 = tpu.vector_load_idx %arg5[%add3A_633] : memref<7680xf32, #tpu.memory_space<vmem>>[vector<16xi32>], vector<16xf32>,
      %convert_element_type3A_635 = arith.fptosi %gather3A_634 : vector<16xf32> to vector<16xi32>
      %add3A_636 = arith.constant 0 : i32
      %add3A_637 = vector.broadcast %add3A_636 : i32 to vector<16xi32>
      %add3A_638 = arith.addi %add3A_625, %add3A_637 : vector<16xi32>
      %gather3A_639 = tpu.vector_load_idx %arg5[%add3A_638] : memref<7680xf32, #tpu.memory_space<vmem>>[vector<16xi32>], vector<16xf32>,
      %mul3A_640 = arith.mulf %gather3A_639, %broadcast_in_dim3A_569 : vector<16xf32>
      %add3A_641 = arith.constant 1 : i32
      %add3A_642 = vector.broadcast %add3A_641 : i32 to vector<16xi32>
      %add3A_643 = arith.addi %add3A_625, %add3A_642 : vector<16xi32>
      %gather3A_644 = tpu.vector_load_idx %arg5[%add3A_643] : memref<7680xf32, #tpu.memory_space<vmem>>[vector<16xi32>], vector<16xf32>,
      %mul3A_645 = arith.mulf %gather3A_644, %broadcast_in_dim3A_572 : vector<16xf32>
      %add3A_646 = arith.constant 2 : i32
      %add3A_647 = vector.broadcast %add3A_646 : i32 to vector<16xi32>
      %add3A_648 = arith.addi %add3A_625, %add3A_647 : vector<16xi32>
      %gather3A_649 = tpu.vector_load_idx %arg5[%add3A_648] : memref<7680xf32, #tpu.memory_space<vmem>>[vector<16xi32>], vector<16xf32>,
      %mul3A_650 = arith.mulf %gather3A_649, %broadcast_in_dim3A_575 : vector<16xf32>
      %add3A_651 = arith.constant 3 : i32
      %add3A_652 = vector.broadcast %add3A_651 : i32 to vector<16xi32>
      %add3A_653 = arith.addi %add3A_625, %add3A_652 : vector<16xi32>
      %gather3A_654 = tpu.vector_load_idx %arg5[%add3A_653] : memref<7680xf32, #tpu.memory_space<vmem>>[vector<16xi32>], vector<16xf32>,
      %mul3A_655 = arith.mulf %gather3A_654, %broadcast_in_dim3A_578 : vector<16xf32>
      %add3A_656 = arith.constant 4 : i32
      %add3A_657 = vector.broadcast %add3A_656 : i32 to vector<16xi32>
      %add3A_658 = arith.addi %add3A_625, %add3A_657 : vector<16xi32>
      %gather3A_659 = tpu.vector_load_idx %arg5[%add3A_658] : memref<7680xf32, #tpu.memory_space<vmem>>[vector<16xi32>], vector<16xf32>,
      %mul3A_660 = arith.mulf %gather3A_659, %broadcast_in_dim3A_581 : vector<16xf32>
      %add3A_661 = arith.constant 5 : i32
      %add3A_662 = vector.broadcast %add3A_661 : i32 to vector<16xi32>
      %add3A_663 = arith.addi %add3A_625, %add3A_662 : vector<16xi32>
      %gather3A_664 = tpu.vector_load_idx %arg5[%add3A_663] : memref<7680xf32, #tpu.memory_space<vmem>>[vector<16xi32>], vector<16xf32>,
      %mul3A_665 = arith.mulf %gather3A_664, %broadcast_in_dim3A_584 : vector<16xf32>
      %add3A_666 = arith.constant 6 : i32
      %add3A_667 = vector.broadcast %add3A_666 : i32 to vector<16xi32>
      %add3A_668 = arith.addi %add3A_625, %add3A_667 : vector<16xi32>
      %gather3A_669 = tpu.vector_load_idx %arg5[%add3A_668] : memref<7680xf32, #tpu.memory_space<vmem>>[vector<16xi32>], vector<16xf32>,
      %mul3A_670 = arith.mulf %gather3A_669, %broadcast_in_dim3A_587 : vector<16xf32>
      %add3A_671 = arith.constant 7 : i32
      %add3A_672 = vector.broadcast %add3A_671 : i32 to vector<16xi32>
      %add3A_673 = arith.addi %add3A_625, %add3A_672 : vector<16xi32>
      %gather3A_674 = tpu.vector_load_idx %arg5[%add3A_673] : memref<7680xf32, #tpu.memory_space<vmem>>[vector<16xi32>], vector<16xf32>,
      %mul3A_675 = arith.mulf %gather3A_674, %broadcast_in_dim3A_590 : vector<16xf32>
      %add3A_676 = arith.constant 8 : i32
      %add3A_677 = vector.broadcast %add3A_676 : i32 to vector<16xi32>
      %add3A_678 = arith.addi %add3A_625, %add3A_677 : vector<16xi32>
      %gather3A_679 = tpu.vector_load_idx %arg5[%add3A_678] : memref<7680xf32, #tpu.memory_space<vmem>>[vector<16xi32>], vector<16xf32>,
      %mul3A_680 = arith.mulf %gather3A_679, %broadcast_in_dim3A_593 : vector<16xf32>
      %add3A_681 = arith.constant 9 : i32
      %add3A_682 = vector.broadcast %add3A_681 : i32 to vector<16xi32>
      %add3A_683 = arith.addi %add3A_625, %add3A_682 : vector<16xi32>
      %gather3A_684 = tpu.vector_load_idx %arg5[%add3A_683] : memref<7680xf32, #tpu.memory_space<vmem>>[vector<16xi32>], vector<16xf32>,
      %mul3A_685 = arith.mulf %gather3A_684, %broadcast_in_dim3A_596 : vector<16xf32>
      %add3A_686 = arith.constant 10 : i32
      %add3A_687 = vector.broadcast %add3A_686 : i32 to vector<16xi32>
      %add3A_688 = arith.addi %add3A_625, %add3A_687 : vector<16xi32>
      %gather3A_689 = tpu.vector_load_idx %arg5[%add3A_688] : memref<7680xf32, #tpu.memory_space<vmem>>[vector<16xi32>], vector<16xf32>,
      %mul3A_690 = arith.mulf %gather3A_689, %broadcast_in_dim3A_599 : vector<16xf32>
      %add3A_691 = arith.constant 11 : i32
      %add3A_692 = vector.broadcast %add3A_691 : i32 to vector<16xi32>
      %add3A_693 = arith.addi %add3A_625, %add3A_692 : vector<16xi32>
      %gather3A_694 = tpu.vector_load_idx %arg5[%add3A_693] : memref<7680xf32, #tpu.memory_space<vmem>>[vector<16xi32>], vector<16xf32>,
      %mul3A_695 = arith.mulf %gather3A_694, %broadcast_in_dim3A_602 : vector<16xf32>
      %add3A_696 = arith.constant 12 : i32
      %add3A_697 = vector.broadcast %add3A_696 : i32 to vector<16xi32>
      %add3A_698 = arith.addi %add3A_625, %add3A_697 : vector<16xi32>
      %gather3A_699 = tpu.vector_load_idx %arg5[%add3A_698] : memref<7680xf32, #tpu.memory_space<vmem>>[vector<16xi32>], vector<16xf32>,
      %mul3A_700 = arith.mulf %gather3A_699, %broadcast_in_dim3A_605 : vector<16xf32>
      %gather3A_701 = tpu.vector_load_idx %arg7[%convert_element_type3A_630] : memref<64xf32, #tpu.memory_space<vmem>>[vector<16xi32>], vector<16xf32>,
      %add3A_702 = arith.constant 32 : i32
      %add3A_703 = vector.broadcast %add3A_702 : i32 to vector<16xi32>
      %add3A_704 = arith.addi %convert_element_type3A_635, %add3A_703 : vector<16xi32>
      %gather3A_705 = tpu.vector_load_idx %arg7[%add3A_704] : memref<64xf32, #tpu.memory_space<vmem>>[vector<16xi32>], vector<16xf32>,
      %add3A_706 = arith.addf %mul3A_640, %mul3A_645 : vector<16xf32>
      %add3A_707 = arith.addf %mul3A_650, %mul3A_655 : vector<16xf32>
      %add3A_708 = arith.addf %mul3A_660, %mul3A_665 : vector<16xf32>
      %add3A_709 = arith.addf %mul3A_670, %mul3A_675 : vector<16xf32>
      %add3A_710 = arith.addf %mul3A_680, %mul3A_685 : vector<16xf32>
      %add3A_711 = arith.addf %mul3A_690, %mul3A_695 : vector<16xf32>
      %add3A_712 = arith.addf %mul3A_700, %gather3A_701 : vector<16xf32>
      %add3A_713 = arith.addf %gather3A_705, %broadcast_in_dim3A_566 : vector<16xf32>
      %add3A_714 = arith.addf %add3A_706, %add3A_707 : vector<16xf32>
      %add3A_715 = arith.addf %add3A_708, %add3A_709 : vector<16xf32>
      %add3A_716 = arith.addf %add3A_710, %add3A_711 : vector<16xf32>
      %add3A_717 = arith.addf %add3A_712, %add3A_713 : vector<16xf32>
      %add3A_718 = arith.addf %add3A_714, %add3A_715 : vector<16xf32>
      %add3A_719 = arith.addf %add3A_716, %add3A_717 : vector<16xf32>
      %add3A_720 = arith.addf %add3A_718, %add3A_719 : vector<16xf32>
      %neg3A = arith.constant 0.000000e+00 : f32
      %neg3A_721 = vector.broadcast %neg3A : f32 to vector<16xf32>
      %neg3A_722 = arith.subf %neg3A_721, %add3A_720 : vector<16xf32>
      %min3A_723 = arith.constant 8.700000e+01 : f32
      %min3A_724 = vector.broadcast %min3A_723 : f32 to vector<16xf32>
      %min3A_725 = arith.minimumf %neg3A_722, %min3A_724 : vector<16xf32>
      %exp3A = math.exp %min3A_725 : vector<16xf32>
      %add3A_726 = arith.constant 1.000000e+00 : f32
      %add3A_727 = vector.broadcast %add3A_726 : f32 to vector<16xf32>
      %add3A_728 = arith.addf %add3A_727, %exp3A : vector<16xf32>
      %bitcast_convert_type3A = tpu.bitcast %add3A_728 : vector<16xf32> -> vector<16xi32>
      %sub3A = arith.constant 2129859011 : i32
      %sub3A_729 = vector.broadcast %sub3A : i32 to vector<16xi32>
      %sub3A_730 = arith.subi %sub3A_729, %bitcast_convert_type3A : vector<16xi32>
      %bitcast_convert_type3A_731 = tpu.bitcast %sub3A_730 : vector<16xi32> -> vector<16xf32>
      %mul3A_732 = arith.mulf %add3A_728, %bitcast_convert_type3A_731 : vector<16xf32>
      %sub3A_733 = arith.constant 2.000000e+00 : f32
      %sub3A_734 = vector.broadcast %sub3A_733 : f32 to vector<16xf32>
      %sub3A_735 = arith.subf %sub3A_734, %mul3A_732 : vector<16xf32>
      %mul3A_736 = arith.mulf %bitcast_convert_type3A_731, %sub3A_735 : vector<16xf32>
      %mul3A_737 = arith.mulf %add3A_728, %mul3A_736 : vector<16xf32>
      %sub3A_738 = arith.constant 2.000000e+00 : f32
      %sub3A_739 = vector.broadcast %sub3A_738 : f32 to vector<16xf32>
      %sub3A_740 = arith.subf %sub3A_739, %mul3A_737 : vector<16xf32>
      %mul3A_741 = arith.mulf %mul3A_736, %sub3A_740 : vector<16xf32>
      %mul3A_742 = arith.mulf %add3A_728, %mul3A_741 : vector<16xf32>
      %sub3A_743 = arith.constant 2.000000e+00 : f32
      %sub3A_744 = vector.broadcast %sub3A_743 : f32 to vector<16xf32>
      %sub3A_745 = arith.subf %sub3A_744, %mul3A_742 : vector<16xf32>
      %mul3A_746 = arith.mulf %mul3A_741, %sub3A_745 : vector<16xf32>
      %mul3A_747 = arith.constant 16 : i32
      %mul3A_748 = arith.muli %add3A_621, %mul3A_747 : i32
      %swap3A_749 = arith.index_cast %mul3A_748 : i32 to index
      %swap3A_750 = tpu.vector_load %arg8[%swap3A_749] {strides = array<i32>} : memref<512xf32, #tpu.memory_space<vmem>>, vector<16xf32>,
      tpu.vector_store %arg8[%swap3A_749], %mul3A_746 {strides = array<i32>} : memref<512xf32, #tpu.memory_space<vmem>>, vector<16xf32>,
      %mul3A_751 = arith.constant 4 : i32
      %mul3A_752 = arith.muli %scan3A_617, %mul3A_751 : i32
      %add3A_753 = arith.constant 1 : i32
      %add3A_754 = arith.addi %mul3A_752, %add3A_753 : i32
      %mul3A_755 = arith.constant 240 : i32
      %mul3A_756 = arith.muli %add3A_754, %mul3A_755 : i32
      %add3A_757 = vector.broadcast %mul3A_756 : i32 to vector<16xi32>
      %add3A_758 = arith.addi %mul3A_608, %add3A_757 : vector<16xi32>
      %add3A_759 = arith.constant 13 : i32
      %add3A_760 = vector.broadcast %add3A_759 : i32 to vector<16xi32>
      %add3A_761 = arith.addi %add3A_758, %add3A_760 : vector<16xi32>
      %gather3A_762 = tpu.vector_load_idx %arg5[%add3A_761] : memref<7680xf32, #tpu.memory_space<vmem>>[vector<16xi32>], vector<16xf32>,
      %convert_element_type3A_763 = arith.fptosi %gather3A_762 : vector<16xf32> to vector<16xi32>
      %add3A_764 = arith.constant 14 : i32
      %add3A_765 = vector.broadcast %add3A_764 : i32 to vector<16xi32>
      %add3A_766 = arith.addi %add3A_758, %add3A_765 : vector<16xi32>
      %gather3A_767 = tpu.vector_load_idx %arg5[%add3A_766] : memref<7680xf32, #tpu.memory_space<vmem>>[vector<16xi32>], vector<16xf32>,
      %convert_element_type3A_768 = arith.fptosi %gather3A_767 : vector<16xf32> to vector<16xi32>
      %add3A_769 = arith.constant 0 : i32
      %add3A_770 = vector.broadcast %add3A_769 : i32 to vector<16xi32>
      %add3A_771 = arith.addi %add3A_758, %add3A_770 : vector<16xi32>
      %gather3A_772 = tpu.vector_load_idx %arg5[%add3A_771] : memref<7680xf32, #tpu.memory_space<vmem>>[vector<16xi32>], vector<16xf32>,
      %mul3A_773 = arith.mulf %gather3A_772, %broadcast_in_dim3A_569 : vector<16xf32>
      %add3A_774 = arith.constant 1 : i32
      %add3A_775 = vector.broadcast %add3A_774 : i32 to vector<16xi32>
      %add3A_776 = arith.addi %add3A_758, %add3A_775 : vector<16xi32>
      %gather3A_777 = tpu.vector_load_idx %arg5[%add3A_776] : memref<7680xf32, #tpu.memory_space<vmem>>[vector<16xi32>], vector<16xf32>,
      %mul3A_778 = arith.mulf %gather3A_777, %broadcast_in_dim3A_572 : vector<16xf32>
      %add3A_779 = arith.constant 2 : i32
      %add3A_780 = vector.broadcast %add3A_779 : i32 to vector<16xi32>
      %add3A_781 = arith.addi %add3A_758, %add3A_780 : vector<16xi32>
      %gather3A_782 = tpu.vector_load_idx %arg5[%add3A_781] : memref<7680xf32, #tpu.memory_space<vmem>>[vector<16xi32>], vector<16xf32>,
      %mul3A_783 = arith.mulf %gather3A_782, %broadcast_in_dim3A_575 : vector<16xf32>
      %add3A_784 = arith.constant 3 : i32
      %add3A_785 = vector.broadcast %add3A_784 : i32 to vector<16xi32>
      %add3A_786 = arith.addi %add3A_758, %add3A_785 : vector<16xi32>
      %gather3A_787 = tpu.vector_load_idx %arg5[%add3A_786] : memref<7680xf32, #tpu.memory_space<vmem>>[vector<16xi32>], vector<16xf32>,
      %mul3A_788 = arith.mulf %gather3A_787, %broadcast_in_dim3A_578 : vector<16xf32>
      %add3A_789 = arith.constant 4 : i32
      %add3A_790 = vector.broadcast %add3A_789 : i32 to vector<16xi32>
      %add3A_791 = arith.addi %add3A_758, %add3A_790 : vector<16xi32>
      %gather3A_792 = tpu.vector_load_idx %arg5[%add3A_791] : memref<7680xf32, #tpu.memory_space<vmem>>[vector<16xi32>], vector<16xf32>,
      %mul3A_793 = arith.mulf %gather3A_792, %broadcast_in_dim3A_581 : vector<16xf32>
      %add3A_794 = arith.constant 5 : i32
      %add3A_795 = vector.broadcast %add3A_794 : i32 to vector<16xi32>
      %add3A_796 = arith.addi %add3A_758, %add3A_795 : vector<16xi32>
      %gather3A_797 = tpu.vector_load_idx %arg5[%add3A_796] : memref<7680xf32, #tpu.memory_space<vmem>>[vector<16xi32>], vector<16xf32>,
      %mul3A_798 = arith.mulf %gather3A_797, %broadcast_in_dim3A_584 : vector<16xf32>
      %add3A_799 = arith.constant 6 : i32
      %add3A_800 = vector.broadcast %add3A_799 : i32 to vector<16xi32>
      %add3A_801 = arith.addi %add3A_758, %add3A_800 : vector<16xi32>
      %gather3A_802 = tpu.vector_load_idx %arg5[%add3A_801] : memref<7680xf32, #tpu.memory_space<vmem>>[vector<16xi32>], vector<16xf32>,
      %mul3A_803 = arith.mulf %gather3A_802, %broadcast_in_dim3A_587 : vector<16xf32>
      %add3A_804 = arith.constant 7 : i32
      %add3A_805 = vector.broadcast %add3A_804 : i32 to vector<16xi32>
      %add3A_806 = arith.addi %add3A_758, %add3A_805 : vector<16xi32>
      %gather3A_807 = tpu.vector_load_idx %arg5[%add3A_806] : memref<7680xf32, #tpu.memory_space<vmem>>[vector<16xi32>], vector<16xf32>,
      %mul3A_808 = arith.mulf %gather3A_807, %broadcast_in_dim3A_590 : vector<16xf32>
      %add3A_809 = arith.constant 8 : i32
      %add3A_810 = vector.broadcast %add3A_809 : i32 to vector<16xi32>
      %add3A_811 = arith.addi %add3A_758, %add3A_810 : vector<16xi32>
      %gather3A_812 = tpu.vector_load_idx %arg5[%add3A_811] : memref<7680xf32, #tpu.memory_space<vmem>>[vector<16xi32>], vector<16xf32>,
      %mul3A_813 = arith.mulf %gather3A_812, %broadcast_in_dim3A_593 : vector<16xf32>
      %add3A_814 = arith.constant 9 : i32
      %add3A_815 = vector.broadcast %add3A_814 : i32 to vector<16xi32>
      %add3A_816 = arith.addi %add3A_758, %add3A_815 : vector<16xi32>
      %gather3A_817 = tpu.vector_load_idx %arg5[%add3A_816] : memref<7680xf32, #tpu.memory_space<vmem>>[vector<16xi32>], vector<16xf32>,
      %mul3A_818 = arith.mulf %gather3A_817, %broadcast_in_dim3A_596 : vector<16xf32>
      %add3A_819 = arith.constant 10 : i32
      %add3A_820 = vector.broadcast %add3A_819 : i32 to vector<16xi32>
      %add3A_821 = arith.addi %add3A_758, %add3A_820 : vector<16xi32>
      %gather3A_822 = tpu.vector_load_idx %arg5[%add3A_821] : memref<7680xf32, #tpu.memory_space<vmem>>[vector<16xi32>], vector<16xf32>,
      %mul3A_823 = arith.mulf %gather3A_822, %broadcast_in_dim3A_599 : vector<16xf32>
      %add3A_824 = arith.constant 11 : i32
      %add3A_825 = vector.broadcast %add3A_824 : i32 to vector<16xi32>
      %add3A_826 = arith.addi %add3A_758, %add3A_825 : vector<16xi32>
      %gather3A_827 = tpu.vector_load_idx %arg5[%add3A_826] : memref<7680xf32, #tpu.memory_space<vmem>>[vector<16xi32>], vector<16xf32>,
      %mul3A_828 = arith.mulf %gather3A_827, %broadcast_in_dim3A_602 : vector<16xf32>
      %add3A_829 = arith.constant 12 : i32
      %add3A_830 = vector.broadcast %add3A_829 : i32 to vector<16xi32>
      %add3A_831 = arith.addi %add3A_758, %add3A_830 : vector<16xi32>
      %gather3A_832 = tpu.vector_load_idx %arg5[%add3A_831] : memref<7680xf32, #tpu.memory_space<vmem>>[vector<16xi32>], vector<16xf32>,
      %mul3A_833 = arith.mulf %gather3A_832, %broadcast_in_dim3A_605 : vector<16xf32>
      %gather3A_834 = tpu.vector_load_idx %arg7[%convert_element_type3A_763] : memref<64xf32, #tpu.memory_space<vmem>>[vector<16xi32>], vector<16xf32>,
      %add3A_835 = arith.constant 32 : i32
      %add3A_836 = vector.broadcast %add3A_835 : i32 to vector<16xi32>
      %add3A_837 = arith.addi %convert_element_type3A_768, %add3A_836 : vector<16xi32>
      %gather3A_838 = tpu.vector_load_idx %arg7[%add3A_837] : memref<64xf32, #tpu.memory_space<vmem>>[vector<16xi32>], vector<16xf32>,
      %add3A_839 = arith.addf %mul3A_773, %mul3A_778 : vector<16xf32>
      %add3A_840 = arith.addf %mul3A_783, %mul3A_788 : vector<16xf32>
      %add3A_841 = arith.addf %mul3A_793, %mul3A_798 : vector<16xf32>
      %add3A_842 = arith.addf %mul3A_803, %mul3A_808 : vector<16xf32>
      %add3A_843 = arith.addf %mul3A_813, %mul3A_818 : vector<16xf32>
      %add3A_844 = arith.addf %mul3A_823, %mul3A_828 : vector<16xf32>
      %add3A_845 = arith.addf %mul3A_833, %gather3A_834 : vector<16xf32>
      %add3A_846 = arith.addf %gather3A_838, %broadcast_in_dim3A_566 : vector<16xf32>
      %add3A_847 = arith.addf %add3A_839, %add3A_840 : vector<16xf32>
      %add3A_848 = arith.addf %add3A_841, %add3A_842 : vector<16xf32>
      %add3A_849 = arith.addf %add3A_843, %add3A_844 : vector<16xf32>
      %add3A_850 = arith.addf %add3A_845, %add3A_846 : vector<16xf32>
      %add3A_851 = arith.addf %add3A_847, %add3A_848 : vector<16xf32>
      %add3A_852 = arith.addf %add3A_849, %add3A_850 : vector<16xf32>
      %add3A_853 = arith.addf %add3A_851, %add3A_852 : vector<16xf32>
      %neg3A_854 = arith.constant 0.000000e+00 : f32
      %neg3A_855 = vector.broadcast %neg3A_854 : f32 to vector<16xf32>
      %neg3A_856 = arith.subf %neg3A_855, %add3A_853 : vector<16xf32>
      %min3A_857 = arith.constant 8.700000e+01 : f32
      %min3A_858 = vector.broadcast %min3A_857 : f32 to vector<16xf32>
      %min3A_859 = arith.minimumf %neg3A_856, %min3A_858 : vector<16xf32>
      %exp3A_860 = math.exp %min3A_859 : vector<16xf32>
      %add3A_861 = arith.constant 1.000000e+00 : f32
      %add3A_862 = vector.broadcast %add3A_861 : f32 to vector<16xf32>
      %add3A_863 = arith.addf %add3A_862, %exp3A_860 : vector<16xf32>
      %bitcast_convert_type3A_864 = tpu.bitcast %add3A_863 : vector<16xf32> -> vector<16xi32>
      %sub3A_865 = arith.constant 2129859011 : i32
      %sub3A_866 = vector.broadcast %sub3A_865 : i32 to vector<16xi32>
      %sub3A_867 = arith.subi %sub3A_866, %bitcast_convert_type3A_864 : vector<16xi32>
      %bitcast_convert_type3A_868 = tpu.bitcast %sub3A_867 : vector<16xi32> -> vector<16xf32>
      %mul3A_869 = arith.mulf %add3A_863, %bitcast_convert_type3A_868 : vector<16xf32>
      %sub3A_870 = arith.constant 2.000000e+00 : f32
      %sub3A_871 = vector.broadcast %sub3A_870 : f32 to vector<16xf32>
      %sub3A_872 = arith.subf %sub3A_871, %mul3A_869 : vector<16xf32>
      %mul3A_873 = arith.mulf %bitcast_convert_type3A_868, %sub3A_872 : vector<16xf32>
      %mul3A_874 = arith.mulf %add3A_863, %mul3A_873 : vector<16xf32>
      %sub3A_875 = arith.constant 2.000000e+00 : f32
      %sub3A_876 = vector.broadcast %sub3A_875 : f32 to vector<16xf32>
      %sub3A_877 = arith.subf %sub3A_876, %mul3A_874 : vector<16xf32>
      %mul3A_878 = arith.mulf %mul3A_873, %sub3A_877 : vector<16xf32>
      %mul3A_879 = arith.mulf %add3A_863, %mul3A_878 : vector<16xf32>
      %sub3A_880 = arith.constant 2.000000e+00 : f32
      %sub3A_881 = vector.broadcast %sub3A_880 : f32 to vector<16xf32>
      %sub3A_882 = arith.subf %sub3A_881, %mul3A_879 : vector<16xf32>
      %mul3A_883 = arith.mulf %mul3A_878, %sub3A_882 : vector<16xf32>
      %mul3A_884 = arith.constant 16 : i32
      %mul3A_885 = arith.muli %add3A_754, %mul3A_884 : i32
      %swap3A_886 = arith.index_cast %mul3A_885 : i32 to index
      %swap3A_887 = tpu.vector_load %arg8[%swap3A_886] {strides = array<i32>} : memref<512xf32, #tpu.memory_space<vmem>>, vector<16xf32>,
      tpu.vector_store %arg8[%swap3A_886], %mul3A_883 {strides = array<i32>} : memref<512xf32, #tpu.memory_space<vmem>>, vector<16xf32>,
      %mul3A_888 = arith.constant 4 : i32
      %mul3A_889 = arith.muli %scan3A_617, %mul3A_888 : i32
      %add3A_890 = arith.constant 2 : i32
      %add3A_891 = arith.addi %mul3A_889, %add3A_890 : i32
      %mul3A_892 = arith.constant 240 : i32
      %mul3A_893 = arith.muli %add3A_891, %mul3A_892 : i32
      %add3A_894 = vector.broadcast %mul3A_893 : i32 to vector<16xi32>
      %add3A_895 = arith.addi %mul3A_608, %add3A_894 : vector<16xi32>
      %add3A_896 = arith.constant 13 : i32
      %add3A_897 = vector.broadcast %add3A_896 : i32 to vector<16xi32>
      %add3A_898 = arith.addi %add3A_895, %add3A_897 : vector<16xi32>
      %gather3A_899 = tpu.vector_load_idx %arg5[%add3A_898] : memref<7680xf32, #tpu.memory_space<vmem>>[vector<16xi32>], vector<16xf32>,
      %convert_element_type3A_900 = arith.fptosi %gather3A_899 : vector<16xf32> to vector<16xi32>
      %add3A_901 = arith.constant 14 : i32
      %add3A_902 = vector.broadcast %add3A_901 : i32 to vector<16xi32>
      %add3A_903 = arith.addi %add3A_895, %add3A_902 : vector<16xi32>
      %gather3A_904 = tpu.vector_load_idx %arg5[%add3A_903] : memref<7680xf32, #tpu.memory_space<vmem>>[vector<16xi32>], vector<16xf32>,
      %convert_element_type3A_905 = arith.fptosi %gather3A_904 : vector<16xf32> to vector<16xi32>
      %add3A_906 = arith.constant 0 : i32
      %add3A_907 = vector.broadcast %add3A_906 : i32 to vector<16xi32>
      %add3A_908 = arith.addi %add3A_895, %add3A_907 : vector<16xi32>
      %gather3A_909 = tpu.vector_load_idx %arg5[%add3A_908] : memref<7680xf32, #tpu.memory_space<vmem>>[vector<16xi32>], vector<16xf32>,
      %mul3A_910 = arith.mulf %gather3A_909, %broadcast_in_dim3A_569 : vector<16xf32>
      %add3A_911 = arith.constant 1 : i32
      %add3A_912 = vector.broadcast %add3A_911 : i32 to vector<16xi32>
      %add3A_913 = arith.addi %add3A_895, %add3A_912 : vector<16xi32>
      %gather3A_914 = tpu.vector_load_idx %arg5[%add3A_913] : memref<7680xf32, #tpu.memory_space<vmem>>[vector<16xi32>], vector<16xf32>,
      %mul3A_915 = arith.mulf %gather3A_914, %broadcast_in_dim3A_572 : vector<16xf32>
      %add3A_916 = arith.constant 2 : i32
      %add3A_917 = vector.broadcast %add3A_916 : i32 to vector<16xi32>
      %add3A_918 = arith.addi %add3A_895, %add3A_917 : vector<16xi32>
      %gather3A_919 = tpu.vector_load_idx %arg5[%add3A_918] : memref<7680xf32, #tpu.memory_space<vmem>>[vector<16xi32>], vector<16xf32>,
      %mul3A_920 = arith.mulf %gather3A_919, %broadcast_in_dim3A_575 : vector<16xf32>
      %add3A_921 = arith.constant 3 : i32
      %add3A_922 = vector.broadcast %add3A_921 : i32 to vector<16xi32>
      %add3A_923 = arith.addi %add3A_895, %add3A_922 : vector<16xi32>
      %gather3A_924 = tpu.vector_load_idx %arg5[%add3A_923] : memref<7680xf32, #tpu.memory_space<vmem>>[vector<16xi32>], vector<16xf32>,
      %mul3A_925 = arith.mulf %gather3A_924, %broadcast_in_dim3A_578 : vector<16xf32>
      %add3A_926 = arith.constant 4 : i32
      %add3A_927 = vector.broadcast %add3A_926 : i32 to vector<16xi32>
      %add3A_928 = arith.addi %add3A_895, %add3A_927 : vector<16xi32>
      %gather3A_929 = tpu.vector_load_idx %arg5[%add3A_928] : memref<7680xf32, #tpu.memory_space<vmem>>[vector<16xi32>], vector<16xf32>,
      %mul3A_930 = arith.mulf %gather3A_929, %broadcast_in_dim3A_581 : vector<16xf32>
      %add3A_931 = arith.constant 5 : i32
      %add3A_932 = vector.broadcast %add3A_931 : i32 to vector<16xi32>
      %add3A_933 = arith.addi %add3A_895, %add3A_932 : vector<16xi32>
      %gather3A_934 = tpu.vector_load_idx %arg5[%add3A_933] : memref<7680xf32, #tpu.memory_space<vmem>>[vector<16xi32>], vector<16xf32>,
      %mul3A_935 = arith.mulf %gather3A_934, %broadcast_in_dim3A_584 : vector<16xf32>
      %add3A_936 = arith.constant 6 : i32
      %add3A_937 = vector.broadcast %add3A_936 : i32 to vector<16xi32>
      %add3A_938 = arith.addi %add3A_895, %add3A_937 : vector<16xi32>
      %gather3A_939 = tpu.vector_load_idx %arg5[%add3A_938] : memref<7680xf32, #tpu.memory_space<vmem>>[vector<16xi32>], vector<16xf32>,
      %mul3A_940 = arith.mulf %gather3A_939, %broadcast_in_dim3A_587 : vector<16xf32>
      %add3A_941 = arith.constant 7 : i32
      %add3A_942 = vector.broadcast %add3A_941 : i32 to vector<16xi32>
      %add3A_943 = arith.addi %add3A_895, %add3A_942 : vector<16xi32>
      %gather3A_944 = tpu.vector_load_idx %arg5[%add3A_943] : memref<7680xf32, #tpu.memory_space<vmem>>[vector<16xi32>], vector<16xf32>,
      %mul3A_945 = arith.mulf %gather3A_944, %broadcast_in_dim3A_590 : vector<16xf32>
      %add3A_946 = arith.constant 8 : i32
      %add3A_947 = vector.broadcast %add3A_946 : i32 to vector<16xi32>
      %add3A_948 = arith.addi %add3A_895, %add3A_947 : vector<16xi32>
      %gather3A_949 = tpu.vector_load_idx %arg5[%add3A_948] : memref<7680xf32, #tpu.memory_space<vmem>>[vector<16xi32>], vector<16xf32>,
      %mul3A_950 = arith.mulf %gather3A_949, %broadcast_in_dim3A_593 : vector<16xf32>
      %add3A_951 = arith.constant 9 : i32
      %add3A_952 = vector.broadcast %add3A_951 : i32 to vector<16xi32>
      %add3A_953 = arith.addi %add3A_895, %add3A_952 : vector<16xi32>
      %gather3A_954 = tpu.vector_load_idx %arg5[%add3A_953] : memref<7680xf32, #tpu.memory_space<vmem>>[vector<16xi32>], vector<16xf32>,
      %mul3A_955 = arith.mulf %gather3A_954, %broadcast_in_dim3A_596 : vector<16xf32>
      %add3A_956 = arith.constant 10 : i32
      %add3A_957 = vector.broadcast %add3A_956 : i32 to vector<16xi32>
      %add3A_958 = arith.addi %add3A_895, %add3A_957 : vector<16xi32>
      %gather3A_959 = tpu.vector_load_idx %arg5[%add3A_958] : memref<7680xf32, #tpu.memory_space<vmem>>[vector<16xi32>], vector<16xf32>,
      %mul3A_960 = arith.mulf %gather3A_959, %broadcast_in_dim3A_599 : vector<16xf32>
      %add3A_961 = arith.constant 11 : i32
      %add3A_962 = vector.broadcast %add3A_961 : i32 to vector<16xi32>
      %add3A_963 = arith.addi %add3A_895, %add3A_962 : vector<16xi32>
      %gather3A_964 = tpu.vector_load_idx %arg5[%add3A_963] : memref<7680xf32, #tpu.memory_space<vmem>>[vector<16xi32>], vector<16xf32>,
      %mul3A_965 = arith.mulf %gather3A_964, %broadcast_in_dim3A_602 : vector<16xf32>
      %add3A_966 = arith.constant 12 : i32
      %add3A_967 = vector.broadcast %add3A_966 : i32 to vector<16xi32>
      %add3A_968 = arith.addi %add3A_895, %add3A_967 : vector<16xi32>
      %gather3A_969 = tpu.vector_load_idx %arg5[%add3A_968] : memref<7680xf32, #tpu.memory_space<vmem>>[vector<16xi32>], vector<16xf32>,
      %mul3A_970 = arith.mulf %gather3A_969, %broadcast_in_dim3A_605 : vector<16xf32>
      %gather3A_971 = tpu.vector_load_idx %arg7[%convert_element_type3A_900] : memref<64xf32, #tpu.memory_space<vmem>>[vector<16xi32>], vector<16xf32>,
      %add3A_972 = arith.constant 32 : i32
      %add3A_973 = vector.broadcast %add3A_972 : i32 to vector<16xi32>
      %add3A_974 = arith.addi %convert_element_type3A_905, %add3A_973 : vector<16xi32>
      %gather3A_975 = tpu.vector_load_idx %arg7[%add3A_974] : memref<64xf32, #tpu.memory_space<vmem>>[vector<16xi32>], vector<16xf32>,
      %add3A_976 = arith.addf %mul3A_910, %mul3A_915 : vector<16xf32>
      %add3A_977 = arith.addf %mul3A_920, %mul3A_925 : vector<16xf32>
      %add3A_978 = arith.addf %mul3A_930, %mul3A_935 : vector<16xf32>
      %add3A_979 = arith.addf %mul3A_940, %mul3A_945 : vector<16xf32>
      %add3A_980 = arith.addf %mul3A_950, %mul3A_955 : vector<16xf32>
      %add3A_981 = arith.addf %mul3A_960, %mul3A_965 : vector<16xf32>
      %add3A_982 = arith.addf %mul3A_970, %gather3A_971 : vector<16xf32>
      %add3A_983 = arith.addf %gather3A_975, %broadcast_in_dim3A_566 : vector<16xf32>
      %add3A_984 = arith.addf %add3A_976, %add3A_977 : vector<16xf32>
      %add3A_985 = arith.addf %add3A_978, %add3A_979 : vector<16xf32>
      %add3A_986 = arith.addf %add3A_980, %add3A_981 : vector<16xf32>
      %add3A_987 = arith.addf %add3A_982, %add3A_983 : vector<16xf32>
      %add3A_988 = arith.addf %add3A_984, %add3A_985 : vector<16xf32>
      %add3A_989 = arith.addf %add3A_986, %add3A_987 : vector<16xf32>
      %add3A_990 = arith.addf %add3A_988, %add3A_989 : vector<16xf32>
      %neg3A_991 = arith.constant 0.000000e+00 : f32
      %neg3A_992 = vector.broadcast %neg3A_991 : f32 to vector<16xf32>
      %neg3A_993 = arith.subf %neg3A_992, %add3A_990 : vector<16xf32>
      %min3A_994 = arith.constant 8.700000e+01 : f32
      %min3A_995 = vector.broadcast %min3A_994 : f32 to vector<16xf32>
      %min3A_996 = arith.minimumf %neg3A_993, %min3A_995 : vector<16xf32>
      %exp3A_997 = math.exp %min3A_996 : vector<16xf32>
      %add3A_998 = arith.constant 1.000000e+00 : f32
      %add3A_999 = vector.broadcast %add3A_998 : f32 to vector<16xf32>
      %add3A_1000 = arith.addf %add3A_999, %exp3A_997 : vector<16xf32>
      %bitcast_convert_type3A_1001 = tpu.bitcast %add3A_1000 : vector<16xf32> -> vector<16xi32>
      %sub3A_1002 = arith.constant 2129859011 : i32
      %sub3A_1003 = vector.broadcast %sub3A_1002 : i32 to vector<16xi32>
      %sub3A_1004 = arith.subi %sub3A_1003, %bitcast_convert_type3A_1001 : vector<16xi32>
      %bitcast_convert_type3A_1005 = tpu.bitcast %sub3A_1004 : vector<16xi32> -> vector<16xf32>
      %mul3A_1006 = arith.mulf %add3A_1000, %bitcast_convert_type3A_1005 : vector<16xf32>
      %sub3A_1007 = arith.constant 2.000000e+00 : f32
      %sub3A_1008 = vector.broadcast %sub3A_1007 : f32 to vector<16xf32>
      %sub3A_1009 = arith.subf %sub3A_1008, %mul3A_1006 : vector<16xf32>
      %mul3A_1010 = arith.mulf %bitcast_convert_type3A_1005, %sub3A_1009 : vector<16xf32>
      %mul3A_1011 = arith.mulf %add3A_1000, %mul3A_1010 : vector<16xf32>
      %sub3A_1012 = arith.constant 2.000000e+00 : f32
      %sub3A_1013 = vector.broadcast %sub3A_1012 : f32 to vector<16xf32>
      %sub3A_1014 = arith.subf %sub3A_1013, %mul3A_1011 : vector<16xf32>
      %mul3A_1015 = arith.mulf %mul3A_1010, %sub3A_1014 : vector<16xf32>
      %mul3A_1016 = arith.mulf %add3A_1000, %mul3A_1015 : vector<16xf32>
      %sub3A_1017 = arith.constant 2.000000e+00 : f32
      %sub3A_1018 = vector.broadcast %sub3A_1017 : f32 to vector<16xf32>
      %sub3A_1019 = arith.subf %sub3A_1018, %mul3A_1016 : vector<16xf32>
      %mul3A_1020 = arith.mulf %mul3A_1015, %sub3A_1019 : vector<16xf32>
      %mul3A_1021 = arith.constant 16 : i32
      %mul3A_1022 = arith.muli %add3A_891, %mul3A_1021 : i32
      %swap3A_1023 = arith.index_cast %mul3A_1022 : i32 to index
      %swap3A_1024 = tpu.vector_load %arg8[%swap3A_1023] {strides = array<i32>} : memref<512xf32, #tpu.memory_space<vmem>>, vector<16xf32>,
      tpu.vector_store %arg8[%swap3A_1023], %mul3A_1020 {strides = array<i32>} : memref<512xf32, #tpu.memory_space<vmem>>, vector<16xf32>,
      %mul3A_1025 = arith.constant 4 : i32
      %mul3A_1026 = arith.muli %scan3A_617, %mul3A_1025 : i32
      %add3A_1027 = arith.constant 3 : i32
      %add3A_1028 = arith.addi %mul3A_1026, %add3A_1027 : i32
      %mul3A_1029 = arith.constant 240 : i32
      %mul3A_1030 = arith.muli %add3A_1028, %mul3A_1029 : i32
      %add3A_1031 = vector.broadcast %mul3A_1030 : i32 to vector<16xi32>
      %add3A_1032 = arith.addi %mul3A_608, %add3A_1031 : vector<16xi32>
      %add3A_1033 = arith.constant 13 : i32
      %add3A_1034 = vector.broadcast %add3A_1033 : i32 to vector<16xi32>
      %add3A_1035 = arith.addi %add3A_1032, %add3A_1034 : vector<16xi32>
      %gather3A_1036 = tpu.vector_load_idx %arg5[%add3A_1035] : memref<7680xf32, #tpu.memory_space<vmem>>[vector<16xi32>], vector<16xf32>,
      %convert_element_type3A_1037 = arith.fptosi %gather3A_1036 : vector<16xf32> to vector<16xi32>
      %add3A_1038 = arith.constant 14 : i32
      %add3A_1039 = vector.broadcast %add3A_1038 : i32 to vector<16xi32>
      %add3A_1040 = arith.addi %add3A_1032, %add3A_1039 : vector<16xi32>
      %gather3A_1041 = tpu.vector_load_idx %arg5[%add3A_1040] : memref<7680xf32, #tpu.memory_space<vmem>>[vector<16xi32>], vector<16xf32>,
      %convert_element_type3A_1042 = arith.fptosi %gather3A_1041 : vector<16xf32> to vector<16xi32>
      %add3A_1043 = arith.constant 0 : i32
      %add3A_1044 = vector.broadcast %add3A_1043 : i32 to vector<16xi32>
      %add3A_1045 = arith.addi %add3A_1032, %add3A_1044 : vector<16xi32>
      %gather3A_1046 = tpu.vector_load_idx %arg5[%add3A_1045] : memref<7680xf32, #tpu.memory_space<vmem>>[vector<16xi32>], vector<16xf32>,
      %mul3A_1047 = arith.mulf %gather3A_1046, %broadcast_in_dim3A_569 : vector<16xf32>
      %add3A_1048 = arith.constant 1 : i32
      %add3A_1049 = vector.broadcast %add3A_1048 : i32 to vector<16xi32>
      %add3A_1050 = arith.addi %add3A_1032, %add3A_1049 : vector<16xi32>
      %gather3A_1051 = tpu.vector_load_idx %arg5[%add3A_1050] : memref<7680xf32, #tpu.memory_space<vmem>>[vector<16xi32>], vector<16xf32>,
      %mul3A_1052 = arith.mulf %gather3A_1051, %broadcast_in_dim3A_572 : vector<16xf32>
      %add3A_1053 = arith.constant 2 : i32
      %add3A_1054 = vector.broadcast %add3A_1053 : i32 to vector<16xi32>
      %add3A_1055 = arith.addi %add3A_1032, %add3A_1054 : vector<16xi32>
      %gather3A_1056 = tpu.vector_load_idx %arg5[%add3A_1055] : memref<7680xf32, #tpu.memory_space<vmem>>[vector<16xi32>], vector<16xf32>,
      %mul3A_1057 = arith.mulf %gather3A_1056, %broadcast_in_dim3A_575 : vector<16xf32>
      %add3A_1058 = arith.constant 3 : i32
      %add3A_1059 = vector.broadcast %add3A_1058 : i32 to vector<16xi32>
      %add3A_1060 = arith.addi %add3A_1032, %add3A_1059 : vector<16xi32>
      %gather3A_1061 = tpu.vector_load_idx %arg5[%add3A_1060] : memref<7680xf32, #tpu.memory_space<vmem>>[vector<16xi32>], vector<16xf32>,
      %mul3A_1062 = arith.mulf %gather3A_1061, %broadcast_in_dim3A_578 : vector<16xf32>
      %add3A_1063 = arith.constant 4 : i32
      %add3A_1064 = vector.broadcast %add3A_1063 : i32 to vector<16xi32>
      %add3A_1065 = arith.addi %add3A_1032, %add3A_1064 : vector<16xi32>
      %gather3A_1066 = tpu.vector_load_idx %arg5[%add3A_1065] : memref<7680xf32, #tpu.memory_space<vmem>>[vector<16xi32>], vector<16xf32>,
      %mul3A_1067 = arith.mulf %gather3A_1066, %broadcast_in_dim3A_581 : vector<16xf32>
      %add3A_1068 = arith.constant 5 : i32
      %add3A_1069 = vector.broadcast %add3A_1068 : i32 to vector<16xi32>
      %add3A_1070 = arith.addi %add3A_1032, %add3A_1069 : vector<16xi32>
      %gather3A_1071 = tpu.vector_load_idx %arg5[%add3A_1070] : memref<7680xf32, #tpu.memory_space<vmem>>[vector<16xi32>], vector<16xf32>,
      %mul3A_1072 = arith.mulf %gather3A_1071, %broadcast_in_dim3A_584 : vector<16xf32>
      %add3A_1073 = arith.constant 6 : i32
      %add3A_1074 = vector.broadcast %add3A_1073 : i32 to vector<16xi32>
      %add3A_1075 = arith.addi %add3A_1032, %add3A_1074 : vector<16xi32>
      %gather3A_1076 = tpu.vector_load_idx %arg5[%add3A_1075] : memref<7680xf32, #tpu.memory_space<vmem>>[vector<16xi32>], vector<16xf32>,
      %mul3A_1077 = arith.mulf %gather3A_1076, %broadcast_in_dim3A_587 : vector<16xf32>
      %add3A_1078 = arith.constant 7 : i32
      %add3A_1079 = vector.broadcast %add3A_1078 : i32 to vector<16xi32>
      %add3A_1080 = arith.addi %add3A_1032, %add3A_1079 : vector<16xi32>
      %gather3A_1081 = tpu.vector_load_idx %arg5[%add3A_1080] : memref<7680xf32, #tpu.memory_space<vmem>>[vector<16xi32>], vector<16xf32>,
      %mul3A_1082 = arith.mulf %gather3A_1081, %broadcast_in_dim3A_590 : vector<16xf32>
      %add3A_1083 = arith.constant 8 : i32
      %add3A_1084 = vector.broadcast %add3A_1083 : i32 to vector<16xi32>
      %add3A_1085 = arith.addi %add3A_1032, %add3A_1084 : vector<16xi32>
      %gather3A_1086 = tpu.vector_load_idx %arg5[%add3A_1085] : memref<7680xf32, #tpu.memory_space<vmem>>[vector<16xi32>], vector<16xf32>,
      %mul3A_1087 = arith.mulf %gather3A_1086, %broadcast_in_dim3A_593 : vector<16xf32>
      %add3A_1088 = arith.constant 9 : i32
      %add3A_1089 = vector.broadcast %add3A_1088 : i32 to vector<16xi32>
      %add3A_1090 = arith.addi %add3A_1032, %add3A_1089 : vector<16xi32>
      %gather3A_1091 = tpu.vector_load_idx %arg5[%add3A_1090] : memref<7680xf32, #tpu.memory_space<vmem>>[vector<16xi32>], vector<16xf32>,
      %mul3A_1092 = arith.mulf %gather3A_1091, %broadcast_in_dim3A_596 : vector<16xf32>
      %add3A_1093 = arith.constant 10 : i32
      %add3A_1094 = vector.broadcast %add3A_1093 : i32 to vector<16xi32>
      %add3A_1095 = arith.addi %add3A_1032, %add3A_1094 : vector<16xi32>
      %gather3A_1096 = tpu.vector_load_idx %arg5[%add3A_1095] : memref<7680xf32, #tpu.memory_space<vmem>>[vector<16xi32>], vector<16xf32>,
      %mul3A_1097 = arith.mulf %gather3A_1096, %broadcast_in_dim3A_599 : vector<16xf32>
      %add3A_1098 = arith.constant 11 : i32
      %add3A_1099 = vector.broadcast %add3A_1098 : i32 to vector<16xi32>
      %add3A_1100 = arith.addi %add3A_1032, %add3A_1099 : vector<16xi32>
      %gather3A_1101 = tpu.vector_load_idx %arg5[%add3A_1100] : memref<7680xf32, #tpu.memory_space<vmem>>[vector<16xi32>], vector<16xf32>,
      %mul3A_1102 = arith.mulf %gather3A_1101, %broadcast_in_dim3A_602 : vector<16xf32>
      %add3A_1103 = arith.constant 12 : i32
      %add3A_1104 = vector.broadcast %add3A_1103 : i32 to vector<16xi32>
      %add3A_1105 = arith.addi %add3A_1032, %add3A_1104 : vector<16xi32>
      %gather3A_1106 = tpu.vector_load_idx %arg5[%add3A_1105] : memref<7680xf32, #tpu.memory_space<vmem>>[vector<16xi32>], vector<16xf32>,
      %mul3A_1107 = arith.mulf %gather3A_1106, %broadcast_in_dim3A_605 : vector<16xf32>
      %gather3A_1108 = tpu.vector_load_idx %arg7[%convert_element_type3A_1037] : memref<64xf32, #tpu.memory_space<vmem>>[vector<16xi32>], vector<16xf32>,
      %add3A_1109 = arith.constant 32 : i32
      %add3A_1110 = vector.broadcast %add3A_1109 : i32 to vector<16xi32>
      %add3A_1111 = arith.addi %convert_element_type3A_1042, %add3A_1110 : vector<16xi32>
      %gather3A_1112 = tpu.vector_load_idx %arg7[%add3A_1111] : memref<64xf32, #tpu.memory_space<vmem>>[vector<16xi32>], vector<16xf32>,
      %add3A_1113 = arith.addf %mul3A_1047, %mul3A_1052 : vector<16xf32>
      %add3A_1114 = arith.addf %mul3A_1057, %mul3A_1062 : vector<16xf32>
      %add3A_1115 = arith.addf %mul3A_1067, %mul3A_1072 : vector<16xf32>
      %add3A_1116 = arith.addf %mul3A_1077, %mul3A_1082 : vector<16xf32>
      %add3A_1117 = arith.addf %mul3A_1087, %mul3A_1092 : vector<16xf32>
      %add3A_1118 = arith.addf %mul3A_1097, %mul3A_1102 : vector<16xf32>
      %add3A_1119 = arith.addf %mul3A_1107, %gather3A_1108 : vector<16xf32>
      %add3A_1120 = arith.addf %gather3A_1112, %broadcast_in_dim3A_566 : vector<16xf32>
      %add3A_1121 = arith.addf %add3A_1113, %add3A_1114 : vector<16xf32>
      %add3A_1122 = arith.addf %add3A_1115, %add3A_1116 : vector<16xf32>
      %add3A_1123 = arith.addf %add3A_1117, %add3A_1118 : vector<16xf32>
      %add3A_1124 = arith.addf %add3A_1119, %add3A_1120 : vector<16xf32>
      %add3A_1125 = arith.addf %add3A_1121, %add3A_1122 : vector<16xf32>
      %add3A_1126 = arith.addf %add3A_1123, %add3A_1124 : vector<16xf32>
      %add3A_1127 = arith.addf %add3A_1125, %add3A_1126 : vector<16xf32>
      %neg3A_1128 = arith.constant 0.000000e+00 : f32
      %neg3A_1129 = vector.broadcast %neg3A_1128 : f32 to vector<16xf32>
      %neg3A_1130 = arith.subf %neg3A_1129, %add3A_1127 : vector<16xf32>
      %min3A_1131 = arith.constant 8.700000e+01 : f32
      %min3A_1132 = vector.broadcast %min3A_1131 : f32 to vector<16xf32>
      %min3A_1133 = arith.minimumf %neg3A_1130, %min3A_1132 : vector<16xf32>
      %exp3A_1134 = math.exp %min3A_1133 : vector<16xf32>
      %add3A_1135 = arith.constant 1.000000e+00 : f32
      %add3A_1136 = vector.broadcast %add3A_1135 : f32 to vector<16xf32>
      %add3A_1137 = arith.addf %add3A_1136, %exp3A_1134 : vector<16xf32>
      %bitcast_convert_type3A_1138 = tpu.bitcast %add3A_1137 : vector<16xf32> -> vector<16xi32>
      %sub3A_1139 = arith.constant 2129859011 : i32
      %sub3A_1140 = vector.broadcast %sub3A_1139 : i32 to vector<16xi32>
      %sub3A_1141 = arith.subi %sub3A_1140, %bitcast_convert_type3A_1138 : vector<16xi32>
      %bitcast_convert_type3A_1142 = tpu.bitcast %sub3A_1141 : vector<16xi32> -> vector<16xf32>
      %mul3A_1143 = arith.mulf %add3A_1137, %bitcast_convert_type3A_1142 : vector<16xf32>
      %sub3A_1144 = arith.constant 2.000000e+00 : f32
      %sub3A_1145 = vector.broadcast %sub3A_1144 : f32 to vector<16xf32>
      %sub3A_1146 = arith.subf %sub3A_1145, %mul3A_1143 : vector<16xf32>
      %mul3A_1147 = arith.mulf %bitcast_convert_type3A_1142, %sub3A_1146 : vector<16xf32>
      %mul3A_1148 = arith.mulf %add3A_1137, %mul3A_1147 : vector<16xf32>
      %sub3A_1149 = arith.constant 2.000000e+00 : f32
      %sub3A_1150 = vector.broadcast %sub3A_1149 : f32 to vector<16xf32>
      %sub3A_1151 = arith.subf %sub3A_1150, %mul3A_1148 : vector<16xf32>
      %mul3A_1152 = arith.mulf %mul3A_1147, %sub3A_1151 : vector<16xf32>
      %mul3A_1153 = arith.mulf %add3A_1137, %mul3A_1152 : vector<16xf32>
      %sub3A_1154 = arith.constant 2.000000e+00 : f32
      %sub3A_1155 = vector.broadcast %sub3A_1154 : f32 to vector<16xf32>
      %sub3A_1156 = arith.subf %sub3A_1155, %mul3A_1153 : vector<16xf32>
      %mul3A_1157 = arith.mulf %mul3A_1152, %sub3A_1156 : vector<16xf32>
      %mul3A_1158 = arith.constant 16 : i32
      %mul3A_1159 = arith.muli %add3A_1028, %mul3A_1158 : i32
      %swap3A_1160 = arith.index_cast %mul3A_1159 : i32 to index
      %swap3A_1161 = tpu.vector_load %arg8[%swap3A_1160] {strides = array<i32>} : memref<512xf32, #tpu.memory_space<vmem>>, vector<16xf32>,
      tpu.vector_store %arg8[%swap3A_1160], %mul3A_1157 {strides = array<i32>} : memref<512xf32, #tpu.memory_space<vmem>>, vector<16xf32>,
    }
    %scan3A_614 = arith.constant 8 : i32
    %mul3A_615 = arith.constant 512 : i32
    %mul3A_616 = arith.muli %add3A, %mul3A_615 : i32
    "tpu.region"() ({
      %run_scoped3A = tpu.sem_alloc : memref<!tpu.dma_semaphore, #tpu.memory_space<semaphore_mem>>
      %dma_start3A_617 = tpu.memref_slice %arg4[%mul3A_616] : memref<16384xf32, #tpu.memory_space<hbm>> -> memref<512xf32, #tpu.memory_space<hbm>>
      %dma_start3A_618 = tpu.memref_slice %arg4[%mul3A_616] : memref<16384xf32, #tpu.memory_space<hbm>> -> memref<512xf32, #tpu.memory_space<hbm>>
      tpu.enqueue_dma source(%arg8 : memref<512xf32, #tpu.memory_space<vmem>>) target(%dma_start3A_618 : memref<512xf32, #tpu.memory_space<hbm>>) target_semaphore(%run_scoped3A : memref<!tpu.dma_semaphore, #tpu.memory_space<semaphore_mem>>)
      %dma_wait3A_619 = tpu.memref_slice %arg4[%mul3A_616] : memref<16384xf32, #tpu.memory_space<hbm>> -> memref<512xf32, #tpu.memory_space<hbm>>
      %dma_wait3A_620 = tpu.memref_slice %arg4[%mul3A_616] : memref<16384xf32, #tpu.memory_space<hbm>> -> memref<512xf32, #tpu.memory_space<hbm>>
      tpu.wait_dma2 semaphore(%run_scoped3A : memref<!tpu.dma_semaphore, #tpu.memory_space<semaphore_mem>>) src(%arg8 : memref<512xf32, #tpu.memory_space<vmem>>) dst(%dma_wait3A_620 : memref<512xf32, #tpu.memory_space<hbm>>)
      tpu.yield
    }) : () -> ()
    return
  }
}

</mosaic_0001>

<sc_bundles>
// kernel: kernel.3.cloned.1.call-start
scs
__scs_entry_jumppad:
0x0: {  	(pc) =	sbr.rel $0x88, $3  }
0x1: {  	(tag) =	ssettag $0x0;
	lr =	simm.s32 $0x1  }
0x2: {  	[smem:$0x3F9A] =	sst lr;
	_ =	strace $0xD0000000  }
0x3: {  	_ = 	snop  }
0x4: {  	_ = 	snop  }
0x5: {  	_ = 	snop  }
0x6: {  	_ = 	snop  }
0x7: {  	_ = 	snop  }
__scs_overlays_trampoline_lowered:
0x8: {  	[smem:$0x3FA9] =	sst s0  }
0x9: {  	[smem:$0x3FAA] =	sst s1  }
0xa: {  	[smem:$0x3FAB] =	sst s2  }
0xb: {  	[smem:$0x3FAC] =	sst s3  }
0xc: {  	[smem:$0x3FAD] =	sst s4  }
0xd: {  	[smem:$0x3FAE] =	sst s5  }
0xe: {  	[smem:$0x3FAF] =	sst s6  }
0xf: {  	[smem:$0x3FB0] =	sst s7  }
0x10: {  	[smem:$0x3FB1] =	sst s8  }
0x11: {  	[smem:$0x3FB2] =	sst s9;
	s0 =	simm.s32 @!p0 $0x0  }
0x12: {  	s1 =	sld [smem:$0x3F98];
	s0 =	simm.s32 @p0 $0x1  }
0x13: {  	[smem:$0x3FB3] =	sst s0;
	s0 =	simm.s32 @!p1 $0x0  }
0x14: {  	s2 =	sld [smem:$0x3F97];
	s0 =	simm.s32 @p1 $0x1  }
0x15: {  	[smem:$0x3FB4] =	sst s0;
	s0 =	simm.s32 @!p2 $0x0  }
0x16: {  	s3 =	sld [smem:$0x3FDB];
	s0 =	simm.s32 @p2 $0x1  }
0x17: {  	s4 =	simm.s32 $0x1BF5;
	[smem:$0x3FB6] =	sst s0  }
0x18: {  	s0 =	sld [smem:$0x3F99];
	_ =	swait.ge [sflag:s4], $0x0  }
0x19: {  	s7 =	sld [smem:$0x3F9A]  }
0x1a: {  	s8 =	sadd.s32 $0xFFFFE003, lr  }
0x1b: {  	s9 =	sadd.s32 $0xFFFFFEF7, lr;
	s5 =	simm.s32 $0xFFFFFFFF;
	p2 =	slt.u32 s8, $0xFFFFF086  }
0x1c: {  	p1 =	slt.u32 s9, $0xF7A;
	s5 =	simm.s32 @!p2 $0x0  }
0x1d: {  	s5 =	simm.s32 @p1 $0x1;
	p0 =	seq.s32 s7, s2  }
0x1e: {  	s7 =	smul.u32 @!p0 $0xF7A, s2;
	p2 =	seq.s32 @!p0 s5, $0x0  }
0x1f: {  	s9 =	smul.u32 $0xF7A, s1;
	s8 =	simm.s32 @!p0 $0x1BF5;
	p2 =	por !p2, p0  }
0x20: {  	[sflag:s8] =	ssyncset.s32 @!p0 $0xFFFFF086;
	s6 =	sadd.s32 @!p0 s3, s7;
	s7 =	simm.s32 @!p0 $0x108  }
0x21: {  	s3 =	sadd.s32 s3, s9;
	s6 =	sadd.s32 @!p0 $0x88, s6;
	s7 =	simm.s32 @p2 $0x1082  }
0x22: {  	[simem:s7], [sflag:s8] =	dma.local @!p0 [hbm:s6], $0xF7A  }
0x23: {  	s9 =	sor.u32 $0xD0000000, s2;
	s6 =	simm.s32 $0x108;
	_ =	swait.ge @!p0 [sflag:s8], $0x0  }
0x24: {  	s3 =	sadd.s32 $0x88, s3;
	s6 =	simm.s32 @!p1 $0x1082;
	[sflag:s4] =	ssyncset.s32 $0xFFFFF086  }
0x25: {  	[simem:s6], [sflag:s4] =	dma.local [hbm:s3], $0xF7A  }
0x26: {  	[smem:$0x3F9A] =	sst s1;
	(tag) =	ssettag s2;
	_ =	strace s9  }
0x27: {  	s1 =	sld [smem:$0x3FAA]  }
0x28: {  	s2 =	sld [smem:$0x3FAB]  }
0x29: {  	s4 =	sld [smem:$0x3FAD]  }
0x2a: {  	p0 =	seq.s32 s5, $0x0;
	s5 =	sld [smem:$0x3FAE]  }
0x2b: {  	s6 =	sld [smem:$0x3FAF]  }
0x2c: {  	s7 =	sld [smem:$0x3FB0]  }
0x2d: {  	s3 =	simm.s32 $0x108;
	s8 =	sld [smem:$0x3FB1]  }
0x2e: {  	s3 =	simm.s32 @!p0 $0x1082;
	s9 =	sld [smem:$0x3FB2]  }
0x2f: {  	lr =	sadd.s32 s0, s3;
	s0 =	sld [smem:$0x3FA9]  }
0x30: {  	s3 =	sld [smem:$0x3FAC]  }
0x31: {  	[smem:$0x3FB5] =	sst s10  }
0x32: {  	s10 =	sld [smem:$0x3FB3];
	_ =	sdelay $0x3  }
0x33: {  	p0 =	seq.s32 s10, $0x1;
	s10 =	sld [smem:$0x3FB5];
	_ =	sdelay $0x3  }
0x34: {  	[smem:$0x3FB5] =	sst s10  }
0x35: {  	s10 =	sld [smem:$0x3FB4];
	_ =	sdelay $0x3  }
0x36: {  	p1 =	seq.s32 s10, $0x1;
	s10 =	sld [smem:$0x3FB5];
	_ =	sdelay $0x3  }
0x37: {  	[smem:$0x3FB5] =	sst s10  }
0x38: {  	s10 =	sld [smem:$0x3FB6]  }
0x39: {  	_ = 	snop;
	(pc) =	sbr.ind lr, $3  }
0x3a: {  	_ = 	snop  }
0x3b: {  	_ = 	snop  }
0x3c: {  	p2 =	seq.s32 s10, $0x1;
	s10 =	sld [smem:$0x3FB5]  }
0x3d: {  	_ =	shalt  }
0x3e: {  	_ =	shalt  }
0x3f: {  	_ =	shalt  }
0x40: {  	_ =	shalt  }
0x41: {  	_ =	shalt  }
0x42: {  	_ =	shalt  }
0x43: {  	_ =	shalt  }
0x44: {  	_ =	shalt  }
0x45: {  	_ =	shalt  }
0x46: {  	_ =	shalt  }
0x47: {  	_ =	shalt  }
0x48: {  	_ =	shalt  }
0x49: {  	_ =	shalt  }
0x4a: {  	_ =	shalt  }
0x4b: {  	_ =	shalt  }
0x4c: {  	_ =	shalt  }
0x4d: {  	_ =	shalt  }
0x4e: {  	_ =	shalt  }
0x4f: {  	_ =	shalt  }
0x50: {  	_ =	shalt  }
0x51: {  	_ =	shalt  }
0x52: {  	_ =	shalt  }
0x53: {  	_ =	shalt  }
0x54: {  	_ =	shalt  }
0x55: {  	_ =	shalt  }
0x56: {  	_ =	shalt  }
0x57: {  	_ =	shalt  }
0x58: {  	_ =	shalt  }
0x59: {  	_ =	shalt  }
0x5a: {  	_ =	shalt  }
0x5b: {  	_ =	shalt  }
0x5c: {  	_ =	shalt  }
0x5d: {  	_ =	shalt  }
0x5e: {  	_ =	shalt  }
0x5f: {  	_ =	shalt  }
0x60: {  	_ =	shalt  }
0x61: {  	_ =	shalt  }
0x62: {  	_ =	shalt  }
0x63: {  	_ =	shalt  }
0x64: {  	_ =	shalt  }
0x65: {  	_ =	shalt  }
0x66: {  	_ =	shalt  }
0x67: {  	_ =	shalt  }
0x68: {  	_ =	shalt  }
0x69: {  	_ =	shalt  }
0x6a: {  	_ =	shalt  }
0x6b: {  	_ =	shalt  }
0x6c: {  	_ =	shalt  }
0x6d: {  	_ =	shalt  }
0x6e: {  	_ =	shalt  }
0x6f: {  	_ =	shalt  }
0x70: {  	_ =	shalt  }
0x71: {  	_ =	shalt  }
0x72: {  	_ =	shalt  }
0x73: {  	_ =	shalt  }
0x74: {  	_ =	shalt  }
0x75: {  	_ =	shalt  }
0x76: {  	_ =	shalt  }
0x77: {  	_ =	shalt  }
0x78: {  	_ =	shalt  }
0x79: {  	_ =	shalt  }
0x7a: {  	_ =	shalt  }
0x7b: {  	_ =	shalt  }
0x7c: {  	_ =	shalt  }
0x7d: {  	_ =	shalt  }
0x7e: {  	_ =	shalt  }
0x7f: {  	_ =	shalt  }
0x80: {  	_ =	shalt  }
0x81: {  	_ =	shalt  }
0x82: {  	_ =	shalt  }
0x83: {  	_ =	shalt  }
0x84: {  	_ =	shalt  }
0x85: {  	_ =	shalt  }
0x86: {  	_ =	shalt  }
0x87: {  	_ =	shalt  }
.Lfunc_end0:
.L_simem_size_0:
called_computation_lowered:
.L_overlay_start_0:
0x88: {  	s2 =	sld [smem:$0x3FD9]  }
0x89: {  	s3 =	sld [smem:$0x3FFE];
	_ =	sdelay $0x1  }
0x8a: {  	s1 =	srdreg.scid  }
0x8b: {  	s0 =	sand.u32 $0x1, s1  }
0x8c: {  	s17 =	sshll.u32 s0, $0xA;
	s2 =	sadd.s32 s3, s2  }
0x8d: {  	s2 =	sadd.s32 s2, s17  }
0x8e: {  	[smem:$0x3FC1] =	sst s2  }
0x8f: {  	_ = 	snop  }
0x90: {  	s2 =	sld [smem:$0x3FD0];
	(tm) =	ssettm $0x1  }
0x91: {  	s18 =	sld [smem:$0x3FFB];
	_ =	sdelay $0x3  }
0x92: {  	_ =	strace s18  }
0x93: {  	s3 =	sld [smem:$0x3FFC];
	_ =	sdelay $0x3  }
0x94: {  	_ =	strace s3  }
0x95: {  	s3 =	sld [smem:$0x3FFD];
	_ =	sdelay $0x3  }
0x96: {  	_ =	strace s3  }
0x97: {  	_ =	strace $0x8FFFFFFF  }
0x98: {  	s19 =	sld [smem:$0x3FDB];
	_ =	sdelay $0x1  }
0x99: {  	s4 =	simm.s32 $_scs_section_size  }
0x9a: {  	s5 =	simm.s32 $_size__tile_overlayer_lowered;
	s6 =	simm.s32 $_tile_overlayer_lowered  }
0x9b: {  	s22 =	simm.s32 $0x1BFF;
	s21 =	sshll.u32 s6, $0x1;
	s3 =	sadd.s32 s4, s19  }
0x9c: {  	s7 =	simm.s32 $0x0;
	s20 =	sshll.u32 s5, $0x1;
	s5 =	sadd.s32 s21, s3  }
0x9d: {  	[timem:s7], [sflag:s22] =	dma.local [hbm:s5], s20  }
0x9e: {  	_ =	swait.ge [sflag:s22], s20  }
0x9f: {  	s4 =	ssub.s32 $0x0, s20;
	[sflag:s22] =	ssyncset.done $0x0  }
0xa0: {  	[sflag:s22] =	ssyncadd.s32 s4;
	_ =	sdelay $0x1  }
0xa1: {  	s23 =	simm.s32 $0x1B8B  }
0xa2: {  	_ =	swait.ge [sflag:s23], $0x1  }
0xa3: {  	[sflag:s23] =	ssyncset.done $0x0  }
0xa4: {  	s25 =	simm.s32 $0x1B8E;
	s24 =	sld [smem:$0x3FFE];
	[sflag:s23] =	ssyncadd.s32 $0xFFFFFFFF  }
0xa5: {  	s26 =	simm.s32 $execute0_lowered;
	[smem:$0x3FD2] =	sst s25  }
0xa6: {  	s5 =	sshll.u32 s26, $0x1;
	_ =	strace $0x80000046;
	[dreg:$0x1] =	wrdreg $0xFFFFFFFF  }
0xa7: {  	s28 =	simm.s32 $_size_execute0_lowered;
	s3 =	sadd.s32 s3, s5;
	[dreg:$0x0] =	wrdreg $0x0  }
0xa8: {  	s5 =	sshll.u32 s28, $0x1;
	[dreg:$0x2] =	wrdreg s3  }
0xa9: {  	[dreg:$0x3] =	wrdreg s5  }
0xaa: {  	[dreg:$0x4] =	wrdreg $0xC0  }
0xab: {  	_ =	task [dreg:s7], $0x5FFFF  }
0xac: {  	[dreg:$0x1] =	wrdreg $0xFFFFFFFF  }
0xad: {  	[dreg:$0x0] =	wrdreg $0x60  }
0xae: {  	[dreg:$0x2] =	wrdreg s24  }
0xaf: {  	[dreg:$0x3] =	wrdreg s2  }
0xb0: {  	[dreg:$0x4] =	wrdreg $0x22800  }
0xb1: {  	[dreg:$0x5] =	wrdreg $0x9  }
0xb2: {  	_ =	task.clear_ibuf [dreg:s7], $0x6FFFF;
	_ =	strace $0x90000046  }
0xb3: {  	s29 =	simm.s32 $0x9;
	_ =	strace $0x80000048  }
0xb4: {  	_ =	swait.ge [sflag:s29], $0x1  }
0xb5: {  	[sflag:s29] =	ssyncadd.s32 $0xFFFFFFFF  }
0xb6: {  	_ =	strace $0x90000048  }
0xb7: {  	_ =	sfence  }
0xb8: {  	s30 =	sld [smem:$0x0];
	_ =	sdelay $0x2  }
0xb9: {  	s31 =	sshll.u32 s1, $0xD;
	s1 =	sshrl.u32 s1, $0x2  }
0xba: {  	s3 =	sand.u32 $0x4000, s31;
	s1 =	sadd.s32 s1, s30  }
0xbb: {  	s0 =	sor.u32 s3, s0;
	s1 =	sshll.u32 s1, $0x11  }
0xbc: {  	s0 =	sor.u32 s1, s0  }
0xbd: {  	s0 =	sadd.s32 $0x8F2B, s0  }
0xbe: {  	[sflag:s0] =	ssyncadd.remote.s32 $0x1  }
0xbf: {  	_ =	sfence.sel $0xFFFF  }
0xc0: {  	[dreg:$0x0] =	wrdreg $0xFFFFFFFF;
	(pc) =	sbr.abs _section_cstart, $3  }
0xc1: {  	[dreg:$0x1] =	wrdreg $0xFFFFFFFF  }
0xc2: {  	_ =	task.clear_ibuf [dreg:s7], $0x2FFFF;
	_ =	strace $0x9FFFFFFF  }
0xc3: {  	(tm) =	ssettm $0x7FFFFFFF  }
tec
execute0_lowered:
.L_overlay_start_1:
0x0: {  	(tag) =	ssettag $0x1  }
0x1: {  	v20 =	vlaneseq.u32;
	v10 =	vimm.s32 $0x726C6660;
	v11 =	vimm.s32 $0x8A847E78  }
0x2: {  	vm1 =	vcmask $0xF00;
	vm0 =	vcmask $0x1F10;
	v14 =	vimm.s32 $0x8B857F79  }
0x3: {  	v16 =	vimm.s32 $0x746E6862;
	v17 =	vimm.s32 $0x8C86807A;
	v19 =	vimm.s32 $0x8D87817B  }
0x4: {  	v21 =	vimm.s32 $0x76706A64;
	v22 =	vimm.s32 $0x8E88827C;
	v23 =	vimm.s32 $0x77716B65  }
0x5: {  	v24 =	vimm.s32 $0x8F89837D;
	v0 =	vmul.u32 $0x6, v20;
	v12 =	vunpack.c.0.s8.s32 v10  }
0x6: {  	v13 =	vunpack.c.0.s8.s32 v11;
	v14 =	vunpack.c.0.s8.s32 v14;
	v16 =	vunpack.c.0.s8.s32 v16  }
0x7: {  	v17 =	vunpack.c.0.s8.s32 v17;
	v19 =	vunpack.c.0.s8.s32 v19;
	v21 =	vunpack.c.0.s8.s32 v21  }
0x8: {  	v22 =	vunpack.c.0.s8.s32 v22;
	v23 =	vunpack.c.0.s8.s32 v23;
	v24 =	vunpack.c.0.s8.s32 v24  }
0x9: {  	v20 =	vmul.u32 $0xF, v20;
	v1 =	vadd.s32 $0x90, v0;
	v5 =	vadd.s32 $0x92, v0  }
0xa: {  	v6 =	vadd.s32 $0x3, v0;
	v7 =	vadd.s32 $0x93, v0;
	v8 =	vadd.s32 $0x4, v0  }
0xb: {  	v9 =	vadd.s32 $0x94, v0;
	v10 =	vadd.s32 $0x5, v0;
	v11 =	vadd.s32 $0x95, v0  }
0xc: {  	v12 =	vnsel vm1, $0x8F, v12;
	v13 =	vand.u32 $0xFF, v13;
	v14 =	vand.u32 $0xFF, v14  }
0xd: {  	v16 =	vnsel vm1, $0x8F, v16;
	v17 =	vand.u32 $0xFF, v17;
	v19 =	vand.u32 $0xFF, v19  }
0xe: {  	v21 =	vnsel vm1, $0x8F, v21;
	v22 =	vand.u32 $0xFF, v22;
	v23 =	vnsel vm1, $0x8F, v23  }
0xf: {  	s3 =	rddreg [dreg:$0x0];
	v24 =	vand.u32 $0xFF, v24;
	v25 =	vadd.s32 $0xD, v20;
	v26 =	vadd.s32 $0xE, v20  }
0x10: {  	s1 =	srdreg.scid;
	s6 =	stileid.u32;
	v27 =	vadd.s32 $0x1, v20;
	v28 =	vadd.s32 $0x2, v20;
	v29 =	vadd.s32 $0x3, v20  }
0x11: {  	s5 =	rddreg [dreg:$0x1];
	s4 =	sand.u32 $0x1, s1;
	s7 =	sshll.u32 s6, $0x1;
	v30 =	vadd.s32 $0x4, v20;
	v31 =	vadd.s32 $0x5, v20;
	v32 =	vadd.s32 $0x6, v20  }
0x12: {  	s0 =	rddreg [dreg:$0x2];
	s2 =	simm.s32 $0x0;
	s7 =	sor.u32 s4, s7;
	[tilespmem:$0x1FFC0] =	vst v1;
	v1 =	vor.u32 $0x1, v0;
	v12 =	vsel vm0, v13, v12;
	v13 =	vimm.s32 $0x736D6761  }
0x13: {  	s10 =	simm.s32 $0x1;
	s11 =	simm.s32 $0x2000;
	s8 =	smul.u32 $0x3C0, s7;
	v33 =	vadd.s32 $0x7, v20;
	[tilespmem:$0x1FFD0] =	vst v1;
	v1 =	vadd.s32 $0x91, v0;
	v15 =	vunpack.c.0.s8.s32 v13  }
0x14: {  	[smem:$0x7FF] =	sst s2;
	s28 =	sadd.s32 $0x8600, s3;
	s4 =	ssub.s32 $0x2, s4;
	v34 =	vadd.s32 $0x8, v20;
	v35 =	vadd.s32 $0x9, v20;
	[tilespmem:$0x1FFE0] =	vst v1;
	v1 =	vadd.s32 $0x2, v0  }
0x15: {  	s9 =	sshrl.u32 s4, $0x1;
	s7 =	sshll.u32 s7, $0x6;
	v36 =	vadd.s32 $0xA, v20;
	v37 =	vadd.s32 $0xB, v20;
	s8 =	sadd.s32 s8, s3;
	[tilespmem:$0x1FFF0] =	vst v1;
	v15 =	vnsel vm1, $0x8F, v15  }
0x16: {  	v38 =	vadd.s32 $0xC, v20;
	s29 =	sadd.s32 $0xE00, s8;
	v14 =	vsel vm0, v14, v15;
	v15 =	vimm.s32 $0x756F6963;
	_ =	strace $0x80000047;
	[dreg:$0x4] =	wrdreg s28  }
0x17: {  	v16 =	vsel vm0, v17, v16;
	v17 =	vadd.s32 $0xF2, v0;
	s9 =	ssub.s32 s4, s9;
	s30 =	sadd.s32 s5, s7;
	[dreg:$0x5] =	wrdreg s29;
	v18 =	vunpack.c.0.s8.s32 v15  }
0x18: {  	p0 =	sne.s32 s6, $0x0;
	v21 =	vsel vm0, v22, v21;
	v22 =	vadd.s32 $0xF4, v0;
	v23 =	vsel vm0, v24, v23;
	s31 =	smax.u32 s9, $0x1;
	[dreg:$0x6] =	wrdreg s30  }
0x19: {  	s13 =	simm.s32 $0x0;
	s0 =	sshrl.u32 @!p0 s0, $0x3;
	v24 =	vadd.s32 $0xF5, v0;
	v13 =	vadd.s32 $0xF0, v0;
	[dreg:$0x7] =	wrdreg s31;
	v18 =	vnsel vm1, $0x8F, v18  }
0x1a: {  	s9 =	simm.s32 $0x2;
	s8 =	simm.s32 $0x1E00;
	[dreg:$0x8] =	wrdreg s0;
	v15 =	vadd.s32 $0xF1, v0;
	v18 =	vsel vm0, v19, v18;
	v19 =	vadd.s32 $0xF3, v0  }
.LBB2_1:
0x1b: {  	s0 =	rddreg [dreg:$0x5]  }
0x1c: {  	s1 =	rddreg [dreg:$0x8]  }
0x1d: {  	[tilespmem:s2], [sflag:$0x1] =	stream.linear.gather [hbm4b:s0+s2], $0x1E00, $0x38;
	[tilespmem:$0x22A0] =	vst v63  }
0x1e: {  	s14 =	simm.s32 @!p0 $0x1C02;
	s0 =	rddreg [dreg:$0x4]  }
0x1f: {  	[spmem:s1], [sflag:s14] =	dma.local @!p0 [hbm:s0], $0x40  }
0x20: {  	s14 =	simm.s32 @!p0 $0x2  }
0x21: {  	_ =	swait.ge @!p0 [sflag:s14], $0x40  }
0x22: {  	[sflag:s14] =	ssyncset.done @!p0 $0x0  }
0x23: {  	[sflag:s14] =	ssyncadd.s32 @!p0 $0xFFFFFFC0  }
0x24: {  	[bflag:$0x0] =	sbarrier.arrive $0xFFFF  }
0x25: {  	s30 =	rddreg [dreg:$0x2]  }
0x26: {  	[tilespmem:s8], [sflag:$0x2] =	stream.linear.gather [spmem:s30], $0x200, $0x38;
	[tilespmem:$0x22A0] =	vst v63  }
0x27: {  	_ =	swait.ge [sflag:s9], $0x200  }
0x28: {  	[sflag:s9] =	ssyncset.done $0x0  }
0x29: {  	[sflag:s9] =	ssyncadd.s32 $0xFFFFFE00  }
0x2a: {  	v40 =	vld [tilespmem:$0x1F90];
	_ =	sdelay $0x1  }
0x2b: {  	v39 =	vld [tilespmem:$0x1FA0];
	_ =	sdelay $0x2  }
0x2c: {  	(v2sf) =	vpush v40, $0xE  }
0x2d: {  	v43 =	vld [tilespmem:$0x1F50];
	(v2sf) =	vpush v40, $0xF  }
0x2e: {  	(v2sf) =	vpush v39, $0x0  }
0x2f: {  	v44 =	vld [tilespmem:$0x1F60];
	(v2sf) =	vpush v39, $0x1  }
0x30: {  	v42 =	vld [tilespmem:$0x1F70];
	(v2sf) =	vpush v39, $0x2  }
0x31: {  	v41 =	vld [tilespmem:$0x1F80];
	(v2sf) =	vpush v39, $0x3  }
0x32: {  	(v2sf) =	vpush v43, $0x0  }
0x33: {  	(v2sf) =	vpush v43, $0xC  }
0x34: {  	(v2sf) =	vpush v44, $0x8  }
0x35: {  	(v2sf) =	vpush v42, $0x4  }
0x36: {  	(v2sf) =	vpush v41, $0x0  }
0x37: {  	(v2sf) =	vpush v41, $0xC  }
0x38: {  	(v2sf) =	vpush v43, $0x1  }
0x39: {  	(v2sf) =	vpush v43, $0xD  }
0x3a: {  	(v2sf) =	vpush v44, $0x9  }
0x3b: {  	s19 =	spop (v2sf);
	(v2sf) =	vpush v42, $0x5  }
0x3c: {  	s18 =	spop (v2sf);
	(v2sf) =	vpush v41, $0x1  }
0x3d: {  	s17 =	spop (v2sf)  }
0x3e: {  	(v2sf) =	vpush v41, $0xD;
	s16 =	spop (v2sf)  }
0x3f: {  	s15 =	spop (v2sf)  }
0x40: {  	s14 =	spop (v2sf)  }
0x41: {  	(v2sf) =	vpush v43, $0x2;
	s20 =	spop (v2sf)  }
0x42: {  	(v2sf) =	vpush v43, $0xE;
	s21 =	spop (v2sf)  }
0x43: {  	(v2sf) =	vpush v44, $0xA;
	s20 =	smul.f32 s19, s20;
	s22 =	spop (v2sf)  }
0x44: {  	(v2sf) =	vpush v42, $0x6;
	s21 =	smul.f32 s18, s21;
	s23 =	spop (v2sf)  }
0x45: {  	(v2sf) =	vpush v41, $0x2;
	s22 =	smul.f32 s17, s22;
	s24 =	spop (v2sf)  }
0x46: {  	(v2sf) =	vpush v41, $0xE;
	s20 =	sadd.f32 s21, s20;
	s25 =	spop (v2sf)  }
0x47: {  	(v2sf) =	vpush v43, $0x3;
	s23 =	smul.f32 s16, s23;
	s26 =	spop (v2sf)  }
0x48: {  	(v2sf) =	vpush v43, $0xF;
	s24 =	smul.f32 s15, s24;
	s28 =	spop (v2sf)  }
0x49: {  	(v2sf) =	vpush v44, $0xB;
	s20 =	sadd.f32 s22, s20;
	s31 =	spop (v2sf)  }
0x4a: {  	s25 =	smul.f32 s14, s25;
	s29 =	spop (v2sf);
	(v2sf) =	vpush v42, $0x7  }
0x4b: {  	s1 =	smul.f32 s19, s26;
	s30 =	spop (v2sf);
	(v2sf) =	vpush v41, $0x3  }
0x4c: {  	s3 =	smul.f32 s18, s28  }
0x4d: {  	s20 =	sadd.f32 s20, s23;
	s4 =	spop (v2sf);
	(v2sf) =	vpush v41, $0xF  }
0x4e: {  	s21 =	smul.f32 s17, s31;
	s22 =	sadd.f32 s3, s1  }
0x4f: {  	s20 =	sadd.f32 s20, s24;
	s5 =	smul.f32 s16, s29  }
0x50: {  	s6 =	smul.f32 s15, s30;
	s0 =	spop (v2sf)  }
0x51: {  	(v2sf) =	vpush v43, $0x4;
	s21 =	sadd.f32 s21, s22;
	s12 =	spop (v2sf)  }
0x52: {  	s20 =	sadd.f32 s20, s25;
	(v2sf) =	vpush v44, $0x0;
	s31 =	spop (v2sf)  }
0x53: {  	s4 =	smul.f32 s14, s4;
	(v2sf) =	vpush v44, $0xC;
	s22 =	spop (v2sf)  }
0x54: {  	s24 =	smul.f32 s19, s0;
	(v2sf) =	vpush v42, $0x8;
	s29 =	spop (v2sf)  }
0x55: {  	s21 =	sadd.f32 s21, s5;
	s1 =	spop (v2sf)  }
0x56: {  	s26 =	smul.f32 s18, s12;
	(v2sf) =	vpush v41, $0x4;
	s7 =	spop (v2sf)  }
0x57: {  	s21 =	sadd.f32 s21, s6;
	(v2sf) =	vpush v40, $0x0;
	s3 =	spop (v2sf)  }
0x58: {  	s24 =	sadd.f32 s26, s24;
	(v2sf) =	vpush v43, $0x5;
	s28 =	spop (v2sf)  }
0x59: {  	s22 =	smul.f32 s16, s22;
	s0 =	spop (v2sf);
	(v2sf) =	vpush v44, $0x1  }
0x5a: {  	s5 =	smul.f32 s19, s7;
	s12 =	spop (v2sf);
	(v2sf) =	vpush v44, $0xD  }
0x5b: {  	s21 =	sadd.f32 s21, s4;
	s6 =	smul.f32 s18, s3  }
0x5c: {  	s3 =	smul.f32 s17, s31;
	s7 =	spop (v2sf);
	(v2sf) =	vpush v42, $0x9  }
0x5d: {  	s28 =	smul.f32 s17, s28;
	s23 =	sadd.f32 s6, s5  }
0x5e: {  	s1 =	smul.f32 s14, s1;
	s24 =	sadd.f32 s3, s24  }
0x5f: {  	s6 =	smul.f32 s15, s29;
	s23 =	sadd.f32 s28, s23  }
0x60: {  	s22 =	sadd.f32 s24, s22;
	s4 =	spop (v2sf);
	(v2sf) =	vpush v41, $0x5  }
0x61: {  	s0 =	smul.f32 s16, s0;
	s31 =	spop (v2sf);
	(v2sf) =	vpush v40, $0x1  }
0x62: {  	s12 =	smul.f32 s15, s12;
	s26 =	spop (v2sf);
	(v2sf) =	vpush v43, $0x6  }
0x63: {  	s22 =	sadd.f32 s22, s6;
	s3 =	spop (v2sf);
	(v2sf) =	vpush v44, $0x2  }
0x64: {  	s0 =	sadd.f32 s23, s0;
	s7 =	smul.f32 s14, s7  }
0x65: {  	s25 =	smul.f32 s19, s4;
	s24 =	spop (v2sf);
	(v2sf) =	vpush v44, $0xE  }
0x66: {  	s23 =	sadd.f32 s22, s1;
	s29 =	spop (v2sf);
	(v2sf) =	vpush v42, $0xA  }
0x67: {  	s0 =	sadd.f32 s0, s12;
	s12 =	spop (v2sf);
	(v2sf) =	vpush v41, $0x6  }
0x68: {  	s6 =	smul.f32 s18, s31;
	s5 =	spop (v2sf);
	(v2sf) =	vpush v40, $0x2  }
0x69: {  	s22 =	sadd.f32 s0, s7;
	s4 =	spop (v2sf);
	(v2sf) =	vpush v43, $0x7  }
0x6a: {  	s26 =	smul.f32 s17, s26;
	s1 =	sadd.f32 s6, s25  }
0x6b: {  	s3 =	smul.f32 s16, s3;
	s7 =	spop (v2sf);
	(v2sf) =	vpush v44, $0x3  }
0x6c: {  	s24 =	smul.f32 s15, s24  }
0x6d: {  	s1 =	sadd.f32 s26, s1;
	s6 =	smul.f32 s14, s29  }
0x6e: {  	s12 =	smul.f32 s19, s12  }
0x6f: {  	s1 =	sadd.f32 s1, s3;
	s31 =	spop (v2sf);
	(v2sf) =	vpush v44, $0xF  }
0x70: {  	s30 =	smul.f32 s18, s5;
	s28 =	spop (v2sf);
	(v2sf) =	vpush v42, $0xB  }
0x71: {  	s4 =	smul.f32 s17, s4;
	s5 =	spop (v2sf);
	(v2sf) =	vpush v41, $0x7  }
0x72: {  	s12 =	sadd.f32 s30, s12;
	s30 =	spop (v2sf);
	(v2sf) =	vpush v40, $0x3  }
0x73: {  	s1 =	sadd.f32 s1, s24;
	s0 =	smul.f32 s16, s7  }
0x74: {  	s4 =	sadd.f32 s4, s12;
	s3 =	spop (v2sf);
	(v2sf) =	vpush v43, $0x8  }
0x75: {  	s7 =	smul.f32 s19, s5;
	s12 =	spop (v2sf);
	(v2sf) =	vpush v44, $0x4  }
0x76: {  	s0 =	sadd.f32 s4, s0;
	s4 =	spop (v2sf);
	(v2sf) =	vpush v42, $0x0  }
0x77: {  	s30 =	smul.f32 s18, s30;
	s29 =	spop (v2sf);
	(v2sf) =	vpush v42, $0xC  }
0x78: {  	s24 =	sadd.f32 s1, s6;
	s5 =	spop (v2sf);
	(v2sf) =	vpush v41, $0x8  }
0x79: {  	s3 =	smul.f32 s17, s3;
	s1 =	sadd.f32 s30, s7  }
0x7a: {  	s26 =	smul.f32 s15, s31;
	s6 =	spop (v2sf);
	(v2sf) =	vpush v40, $0x4  }
0x7b: {  	s12 =	smul.f32 s16, s12;
	s1 =	sadd.f32 s3, s1  }
0x7c: {  	s25 =	sadd.f32 s0, s26;
	s4 =	smul.f32 s15, s4  }
0x7d: {  	v1 =	vld [tilespmem:$0x1FFC0];
	s1 =	sadd.f32 s1, s12;
	s5 =	smul.f32 s19, s5  }
0x7e: {  	s7 =	spop (v2sf);
	(v2sf) =	vpush v43, $0x9;
	s0 =	smul.f32 s18, s6  }
0x7f: {  	s29 =	smul.f32 s14, s29;
	s30 =	spop (v2sf);
	(v2sf) =	vpush v44, $0x5  }
0x80: {  	s0 =	sadd.f32 s0, s5;
	s5 =	spop (v2sf);
	(v2sf) =	vpush v42, $0x1  }
0x81: {  	s6 =	smul.f32 s17, s7;
	s31 =	spop (v2sf);
	(v2sf) =	vpush v42, $0xD  }
0x82: {  	s1 =	sadd.f32 s1, s4;
	s26 =	smul.f32 s16, s30  }
0x83: {  	s5 =	smul.f32 s15, s5;
	s7 =	spop (v2sf);
	(v2sf) =	vpush v41, $0x9  }
0x84: {  	s0 =	sadd.f32 s6, s0;
	s30 =	spop (v2sf);
	(v2sf) =	vpush v40, $0x5  }
0x85: {  	v54 =	vld.idx.msk [tilespmem:v1+s8+$0x0], $0xffff;
	s3 =	smul.f32 s19, s7;
	s12 =	spop (v2sf);
	(v2sf) =	vpush v43, $0xA  }
0x86: {  	v1 =	vld [tilespmem:$0x1FFD0];
	s0 =	sadd.f32 s0, s26;
	s6 =	spop (v2sf);
	(v2sf) =	vpush v44, $0x6  }
0x87: {  	s30 =	smul.f32 s18, s30;
	s7 =	spop (v2sf);
	(v2sf) =	vpush v42, $0x2  }
0x88: {  	s26 =	sadd.f32 s1, s29;
	s12 =	smul.f32 s17, s12  }
0x89: {  	s1 =	sadd.f32 s30, s3;
	s4 =	spop (v2sf);
	(v2sf) =	vpush v42, $0xE  }
0x8a: {  	s29 =	smul.f32 s14, s31;
	s0 =	sadd.f32 s0, s5  }
0x8b: {  	s3 =	sadd.f32 s12, s1;
	s5 =	smul.f32 s16, s6  }
0x8c: {  	s29 =	sadd.f32 s0, s29;
	s7 =	smul.f32 s15, s7  }
0x8d: {  	s31 =	spop (v2sf);
	(v2sf) =	vpush v41, $0xA;
	s0 =	sadd.f32 s3, s5  }
0x8e: {  	v55 =	vld.idx.msk [tilespmem:v1+s8+$0x0], $0xffff;
	s4 =	smul.f32 s14, s4;
	s30 =	spop (v2sf);
	(v2sf) =	vpush v40, $0x6  }
0x8f: {  	v1 =	vld [tilespmem:$0x1FFE0];
	s6 =	smul.f32 s19, s31;
	s31 =	spop (v2sf);
	(v2sf) =	vpush v43, $0xB  }
0x90: {  	s12 =	smul.f32 s18, s30;
	s30 =	spop (v2sf);
	(v2sf) =	vpush v44, $0x7  }
0x91: {  	s0 =	sadd.f32 s0, s7;
	s5 =	smul.f32 s17, s31  }
0x92: {  	s1 =	spop (v2sf);
	s3 =	sadd.f32 s12, s6;
	(v2sf) =	vpush v42, $0x3  }
0x93: {  	s12 =	smul.f32 s16, s30;
	s6 =	spop (v2sf)  }
0x94: {  	s30 =	sadd.f32 s0, s4;
	(v2sf) =	vpush v42, $0xF;
	s31 =	spop (v2sf)  }
0x95: {  	s3 =	sadd.f32 s5, s3;
	s7 =	spop (v2sf)  }
0x96: {  	s4 =	smul.f32 s14, s28;
	s0 =	spop (v2sf);
	(v2sf) =	vpush v41, $0xB  }
0x97: {  	v56 =	vld.idx.msk [tilespmem:v1+s8+$0x0], $0xffff;
	s1 =	smul.f32 s15, s1;
	s3 =	sadd.f32 s3, s12  }
0x98: {  	v1 =	vld [tilespmem:$0x1FFF0];
	s5 =	smul.f32 s19, s31;
	s31 =	spop (v2sf);
	(v2sf) =	vpush v40, $0x7  }
0x99: {  	s6 =	smul.f32 s14, s6;
	s1 =	sadd.f32 s3, s1  }
0x9a: {  	s12 =	smul.f32 s18, s7  }
0x9b: {  	s28 =	sadd.f32 s1, s6;
	s0 =	smul.f32 s17, s0  }
0x9c: {  	v53 =	vld.idx.msk [tilespmem:v0+s8+$0x0], $0xffff;
	s7 =	spop (v2sf);
	s3 =	sadd.f32 s12, s5  }
0x9d: {  	s31 =	smul.f32 s16, s31;
	s1 =	spop (v2sf)  }
0x9e: {  	s0 =	sadd.f32 s0, s3;
	s6 =	spop (v2sf)  }
0x9f: {  	s5 =	smul.f32 s19, s6;
	s12 =	spop (v2sf)  }
0xa0: {  	v45 =	vld.idx.msk [tilespmem:v1+s8+$0x0], $0xffff;
	s0 =	sadd.f32 s0, s31;
	s31 =	smul.f32 s18, s12  }
0xa1: {  	v46 =	vld.idx.msk [tilespmem:v5+s8+$0x0], $0xffff;
	v41 =	vmul.f32 s20, v53;
	s1 =	smul.f32 s14, s1;
	s12 =	spop (v2sf)  }
0xa2: {  	v47 =	vld.idx.msk [tilespmem:v6+s8+$0x0], $0xffff;
	v42 =	vmul.f32 s26, v54;
	s3 =	sadd.f32 s31, s5;
	s31 =	smul.f32 s17, s12  }
0xa3: {  	v48 =	vld.idx.msk [tilespmem:v7+s8+$0x0], $0xffff;
	v43 =	vmul.f32 s21, v55;
	v41 =	vadd.f32 $0.0e+00, v41;
	s6 =	smul.f32 s15, s7;
	s7 =	spop (v2sf)  }
0xa4: {  	v49 =	vld.idx.msk [tilespmem:v8+s8+$0x0], $0xffff;
	v44 =	vmul.f32 s29, v56;
	v42 =	vadd.f32 $0.0e+00, v42;
	s12 =	smul.f32 s16, s7;
	s3 =	sadd.f32 s31, s3  }
0xa5: {  	v58 =	vld.idx.msk [tilespmem:v9+s8+$0x0], $0xffff;
	v57 =	vmul.f32 s23, v45;
	v41 =	vadd.f32 v41, v43;
	s0 =	sadd.f32 s0, s6;
	s31 =	spop (v2sf)  }
0xa6: {  	v60 =	vld.idx.msk [tilespmem:v10+s8+$0x0], $0xffff;
	v59 =	vmul.f32 s30, v46;
	v42 =	vadd.f32 v42, v44;
	s3 =	sadd.f32 s3, s12;
	s6 =	smul.f32 s15, s31  }
0xa7: {  	v62 =	vld.idx.msk [tilespmem:v11+s8+$0x0], $0xffff;
	v61 =	vmul.f32 s22, v47;
	v41 =	vadd.f32 v41, v57;
	s0 =	sadd.f32 s0, s1;
	s7 =	spop (v2sf)  }
0xa8: {  	v42 =	vadd.f32 v42, v59;
	v63 =	vmul.f32 s28, v48;
	s1 =	smul.f32 s14, s7;
	s3 =	sadd.f32 s3, s6  }
0xa9: {  	s4 =	sadd.f32 s25, s4;
	v48 =	vmul.f32 s24, v49;
	v41 =	vadd.f32 v41, v61  }
0xaa: {  	v42 =	vadd.f32 v42, v63;
	v49 =	vmul.f32 s0, v58;
	s1 =	sadd.f32 s3, s1  }
0xab: {  	v50 =	vmul.f32 s4, v60;
	v41 =	vadd.f32 v41, v48  }
0xac: {  	v42 =	vadd.f32 v42, v49;
	v51 =	vmul.f32 s1, v62  }
0xad: {  	v41 =	vadd.f32 v41, v50  }
0xae: {  	v42 =	vadd.f32 v51, v42  }
0xaf: {  	[tilespmem:$0x2000] =	vst v41  }
0xb0: {  	[tilespmem:$0x2020] =	vst v42  }
0xb1: {  	v41 =	vld.idx.msk [tilespmem:v12+s8+$0x0], $0xffff  }
0xb2: {  	v42 =	vld.idx.msk [tilespmem:v13+s8+$0x0], $0xffff  }
0xb3: {  	v52 =	vld.idx.msk [tilespmem:v14+s8+$0x0], $0xffff  }
0xb4: {  	v53 =	vld.idx.msk [tilespmem:v15+s8+$0x0], $0xffff  }
0xb5: {  	v54 =	vld.idx.msk [tilespmem:v16+s8+$0x0], $0xffff  }
0xb6: {  	v55 =	vld.idx.msk [tilespmem:v17+s8+$0x0], $0xffff;
	v41 =	vmul.f32 s20, v41  }
0xb7: {  	v56 =	vld.idx.msk [tilespmem:v18+s8+$0x0], $0xffff;
	v42 =	vmul.f32 s26, v42  }
0xb8: {  	v57 =	vld.idx.msk [tilespmem:v19+s8+$0x0], $0xffff;
	v43 =	vmul.f32 s21, v52;
	v41 =	vadd.f32 $0.0e+00, v41  }
0xb9: {  	v58 =	vld.idx.msk [tilespmem:v21+s8+$0x0], $0xffff;
	v44 =	vmul.f32 s29, v53;
	v42 =	vadd.f32 $0.0e+00, v42  }
0xba: {  	v59 =	vld.idx.msk [tilespmem:v22+s8+$0x0], $0xffff;
	v45 =	vmul.f32 s23, v54;
	v41 =	vadd.f32 v43, v41  }
0xbb: {  	v60 =	vld.idx.msk [tilespmem:v23+s8+$0x0], $0xffff;
	v46 =	vmul.f32 s30, v55;
	v42 =	vadd.f32 v44, v42  }
0xbc: {  	v61 =	vld.idx.msk [tilespmem:v24+s8+$0x0], $0xffff;
	v47 =	vmul.f32 s22, v56;
	v41 =	vadd.f32 v45, v41  }
0xbd: {  	v48 =	vmul.f32 s28, v57;
	v42 =	vadd.f32 v46, v42  }
0xbe: {  	v62 =	vmul.f32 s24, v58;
	v41 =	vadd.f32 v47, v41  }
0xbf: {  	v43 =	vmul.f32 s0, v59;
	v42 =	vadd.f32 v48, v42  }
0xc0: {  	v44 =	vmul.f32 s4, v60;
	v41 =	vadd.f32 v62, v41  }
0xc1: {  	v63 =	vmul.f32 s1, v61;
	v42 =	vadd.f32 v43, v42  }
0xc2: {  	v52 =	vld [tilespmem:$0x1FB0];
	v41 =	vadd.f32 v44, v41  }
0xc3: {  	v42 =	vadd.f32 v63, v42  }
0xc4: {  	[tilespmem:$0x2010] =	vst v41  }
0xc5: {  	[tilespmem:$0x2030] =	vst v42  }
0xc6: {  	[bflag:$0x0] =	sbarrier.arrive $0xFFFF  }
0xc7: {  	(v2sf) =	vpush v52, $0x1  }
0xc8: {  	(v2sf) =	vpush v40, $0x8;
	_ =	sdelay $0x1  }
0xc9: {  	(v2sf) =	vpush v40, $0x9;
	_ =	sdelay $0x1  }
0xca: {  	(v2sf) =	vpush v40, $0xA;
	_ =	sdelay $0x1  }
0xcb: {  	(v2sf) =	vpush v40, $0xB;
	_ =	sdelay $0x1  }
0xcc: {  	(v2sf) =	vpush v40, $0xC;
	_ =	sdelay $0x1  }
0xcd: {  	(v2sf) =	vpush v40, $0xD;
	_ =	sdelay $0x3  }
0xce: {  	s12 =	spop (v2sf)  }
0xcf: {  	s20 =	spop (v2sf)  }
0xd0: {  	s1 =	smul.f32 s20, s19  }
0xd1: {  	s21 =	spop (v2sf)  }
0xd2: {  	s22 =	smul.f32 s21, s18;
	s0 =	sadd.f32 s12, s1  }
0xd3: {  	s23 =	spop (v2sf)  }
0xd4: {  	s24 =	smul.f32 s17, s23;
	s0 =	sadd.f32 s0, s22  }
0xd5: {  	s25 =	spop (v2sf)  }
0xd6: {  	s26 =	smul.f32 s16, s25;
	s0 =	sadd.f32 s0, s24  }
0xd7: {  	s28 =	spop (v2sf)  }
0xd8: {  	v50 =	vbroadcast v39, $0xE;
	s29 =	smul.f32 s15, s28;
	s0 =	sadd.f32 s0, s26  }
0xd9: {  	v49 =	vbroadcast v39, $0xD;
	v45 =	vbroadcast v39, $0x9;
	s30 =	spop (v2sf)  }
0xda: {  	v46 =	vbroadcast v39, $0xA;
	v47 =	vbroadcast v39, $0xB;
	s31 =	smul.f32 s14, s30;
	s0 =	sadd.f32 s0, s29  }
0xdb: {  	v48 =	vbroadcast v39, $0xC;
	v43 =	vbroadcast v39, $0x7  }
0xdc: {  	v44 =	vbroadcast v39, $0x8;
	v41 =	vbroadcast v39, $0x5;
	_ =	swait.ge [sflag:s10], $0x1E00;
	s0 =	sadd.f32 s0, s31  }
0xdd: {  	v42 =	vbroadcast v39, $0x6;
	v52 =	vbroadcast v52, $0x0;
	[sflag:s10] =	ssyncset.done $0x0  }
0xde: {  	v40 =	vbroadcast v39, $0x4;
	v39 =	vbroadcast v39, $0xF;
	s15 =	simm.s32 $0x0;
	s14 =	simm.s32 $0x20A0;
	[sflag:s10] =	ssyncadd.s32 $0xFFFFE200;
	v51 =	vmov s0  }
.LBB2_2:
0xdf: {  	v53 =	vadd.s32 s15, v25  }
0xe0: {  	v54 =	vadd.s32 s15, v26  }
0xe1: {  	v55 =	vadd.s32 s15, v20  }
0xe2: {  	v56 =	vadd.s32 s15, v27  }
0xe3: {  	v57 =	vadd.s32 s15, v28  }
0xe4: {  	v58 =	vadd.s32 s15, v29;
	v53 =	vld.idx.msk [tilespmem:v53+s2+$0x0], $0xffff  }
0xe5: {  	v59 =	vadd.s32 s15, v30;
	v54 =	vld.idx.msk [tilespmem:v54+s2+$0x0], $0xffff  }
0xe6: {  	v60 =	vadd.s32 s15, v31;
	v55 =	vld.idx.msk [tilespmem:v55+s2+$0x0], $0xffff  }
0xe7: {  	v61 =	vadd.s32 s15, v32;
	v56 =	vld.idx.msk [tilespmem:v56+s2+$0x0], $0xffff  }
0xe8: {  	v62 =	vadd.s32 s15, v33;
	v57 =	vld.idx.msk [tilespmem:v57+s2+$0x0], $0xffff  }
0xe9: {  	v63 =	vadd.s32 s15, v34;
	v58 =	vld.idx.msk [tilespmem:v58+s2+$0x0], $0xffff  }
0xea: {  	v1 =	vadd.s32 s15, v35;
	v59 =	vld.idx.msk [tilespmem:v59+s2+$0x0], $0xffff  }
0xeb: {  	v2 =	vadd.s32 s15, v36;
	v60 =	vld.idx.msk [tilespmem:v60+s2+$0x0], $0xffff  }
0xec: {  	v3 =	vadd.s32 s15, v37;
	v61 =	vld.idx.msk [tilespmem:v61+s2+$0x0], $0xffff;
	v53 =	vtrunc.f32 v53;
	v54 =	vtrunc.f32 v54  }
0xed: {  	v4 =	vadd.s32 s15, v38;
	v62 =	vld.idx.msk [tilespmem:v62+s2+$0x0], $0xffff;
	v53 =	vcvt.f32.s32 v53;
	v54 =	vcvt.f32.s32 v54  }
0xee: {  	v63 =	vld.idx.msk [tilespmem:v63+s2+$0x0], $0xffff  }
0xef: {  	v1 =	vld.idx.msk [tilespmem:v1+s2+$0x0], $0xffff;
	v54 =	vadd.s32 $0x20, v54  }
0xf0: {  	v2 =	vld.idx.msk [tilespmem:v2+s2+$0x0], $0xffff;
	v55 =	vmul.f32 v55, v40  }
0xf1: {  	v3 =	vld.idx.msk [tilespmem:v3+s2+$0x0], $0xffff;
	v56 =	vmul.f32 v56, v41;
	v57 =	vmul.f32 v57, v42  }
0xf2: {  	v4 =	vld.idx.msk [tilespmem:v4+s2+$0x0], $0xffff;
	v58 =	vmul.f32 v58, v43;
	v59 =	vmul.f32 v59, v44  }
0xf3: {  	v60 =	vmul.f32 v60, v45;
	v61 =	vmul.f32 v61, v46;
	v53 =	vld.idx.msk [tilespmem:v53+s11+$0x0], $0xffff  }
0xf4: {  	v62 =	vmul.f32 v62, v47;
	v63 =	vmul.f32 v63, v48;
	v54 =	vld.idx.msk [tilespmem:v54+s11+$0x0], $0xffff  }
0xf5: {  	v1 =	vmul.f32 v1, v49;
	v2 =	vmul.f32 v2, v50  }
0xf6: {  	v3 =	vmul.f32 v3, v39;
	v55 =	vadd.f32 v56, v55;
	v56 =	vadd.f32 v58, v57  }
0xf7: {  	v4 =	vmul.f32 v4, v52;
	v60 =	vadd.f32 v60, v59;
	v62 =	vadd.f32 v62, v61  }
0xf8: {  	v1 =	vadd.f32 v1, v63;
	v2 =	vadd.f32 v3, v2  }
0xf9: {  	v3 =	vadd.f32 v53, v4;
	v4 =	vadd.f32 v54, v51  }
0xfa: {  	v59 =	vadd.f32 v56, v55;
	v60 =	vadd.f32 v62, v60  }
0xfb: {  	v1 =	vadd.f32 v2, v1;
	v2 =	vadd.f32 v4, v3;
	_ =	sdelay $0x1  }
0xfc: {  	v3 =	vadd.f32 v60, v59;
	v1 =	vadd.f32 v2, v1;
	_ =	sdelay $0x1  }
0xfd: {  	v1 =	vadd.f32 v1, v3;
	_ =	sdelay $0x1  }
0xfe: {  	v1 =	vxor.u32 $0x80000000, v1  }
0xff: {  	v1 =	vmin.f32 v1, $8.700000000e+01  }
0x100: {  	v1 =	vmul.f32 $1.442695020e+00, v1;
	_ =	sdelay $0x1  }
0x101: {  	(erf) = vpow2.f32 v1;
	_ =	sdelay $0x8  }
0x102: {  	v1 =	vpop (erf)  }
0x103: {  	v1 =	vadd.f32 $1.000000000e+00, v1;
	_ =	sdelay $0x1  }
0x104: {  	v2 =	vsub.s32 $0x7EF311C3, v1  }
0x105: {  	v3 =	vmul.f32 v2, v1;
	_ =	sdelay $0x1  }
0x106: {  	v3 =	vsub.f32 $2.000000000e+00, v3;
	_ =	sdelay $0x1  }
0x107: {  	v2 =	vmul.f32 v2, v3;
	_ =	sdelay $0x1  }
0x108: {  	v3 =	vmul.f32 v2, v1;
	_ =	sdelay $0x1  }
0x109: {  	v3 =	vsub.f32 $2.000000000e+00, v3;
	_ =	sdelay $0x1  }
0x10a: {  	v2 =	vmul.f32 v3, v2;
	_ =	sdelay $0x1  }
0x10b: {  	v1 =	vmul.f32 v2, v1  }
0x10c: {  	s0 =	sadd.s32 $0xF0, s15  }
0x10d: {  	v3 =	vadd.s32 s0, v25;
	v1 =	vsub.f32 $2.000000000e+00, v1  }
0x10e: {  	v4 =	vadd.s32 s0, v26  }
0x10f: {  	v61 =	vadd.s32 s0, v27;
	v1 =	vmul.f32 v1, v2  }
0x110: {  	v62 =	vadd.s32 s0, v29  }
0x111: {  	v63 =	vadd.s32 s0, v30;
	[tilespmem:s14+$0xFFFFFFE0] =	vst v1  }
0x112: {  	v56 =	vadd.s32 s0, v31;
	v3 =	vld.idx.msk [tilespmem:v3+s2+$0x0], $0xffff  }
0x113: {  	v57 =	vadd.s32 s0, v32;
	v4 =	vld.idx.msk [tilespmem:v4+s2+$0x0], $0xffff  }
0x114: {  	v58 =	vadd.s32 s0, v33;
	v53 =	vld.idx.msk [tilespmem:v61+s2+$0x0], $0xffff  }
0x115: {  	v59 =	vadd.s32 s0, v34;
	v54 =	vld.idx.msk [tilespmem:v62+s2+$0x0], $0xffff  }
0x116: {  	v60 =	vadd.s32 s0, v35;
	v55 =	vld.idx.msk [tilespmem:v63+s2+$0x0], $0xffff  }
0x117: {  	v2 =	vadd.s32 s0, v20;
	v56 =	vld.idx.msk [tilespmem:v56+s2+$0x0], $0xffff  }
0x118: {  	v1 =	vadd.s32 s0, v28;
	v57 =	vld.idx.msk [tilespmem:v57+s2+$0x0], $0xffff  }
0x119: {  	v61 =	vadd.s32 s0, v36;
	v58 =	vld.idx.msk [tilespmem:v58+s2+$0x0], $0xffff  }
0x11a: {  	v62 =	vadd.s32 s0, v37;
	v59 =	vld.idx.msk [tilespmem:v59+s2+$0x0], $0xffff;
	v3 =	vtrunc.f32 v3;
	v4 =	vtrunc.f32 v4  }
0x11b: {  	v63 =	vadd.s32 s0, v38;
	v60 =	vld.idx.msk [tilespmem:v60+s2+$0x0], $0xffff;
	v3 =	vcvt.f32.s32 v3;
	v4 =	vcvt.f32.s32 v4  }
0x11c: {  	v2 =	vld.idx.msk [tilespmem:v2+s2+$0x0], $0xffff  }
0x11d: {  	v1 =	vld.idx.msk [tilespmem:v1+s2+$0x0], $0xffff;
	v4 =	vadd.s32 $0x20, v4  }
0x11e: {  	v61 =	vld.idx.msk [tilespmem:v61+s2+$0x0], $0xffff  }
0x11f: {  	v53 =	vmul.f32 v53, v41;
	v62 =	vld.idx.msk [tilespmem:v62+s2+$0x0], $0xffff;
	v54 =	vmul.f32 v54, v43  }
0x120: {  	v55 =	vmul.f32 v55, v44;
	v63 =	vld.idx.msk [tilespmem:v63+s2+$0x0], $0xffff;
	v56 =	vmul.f32 v56, v45  }
0x121: {  	v59 =	vmul.f32 v59, v48;
	v60 =	vmul.f32 v60, v49;
	v3 =	vld.idx.msk [tilespmem:v3+s11+$0x0], $0xffff  }
0x122: {  	v57 =	vmul.f32 v57, v46;
	v2 =	vmul.f32 v2, v40;
	v4 =	vld.idx.msk [tilespmem:v4+s11+$0x0], $0xffff  }
0x123: {  	v58 =	vmul.f32 v58, v47;
	v60 =	vadd.f32 v60, v59;
	v1 =	vmul.f32 v1, v42  }
0x124: {  	v2 =	vadd.f32 v53, v2;
	v61 =	vmul.f32 v61, v50;
	v62 =	vmul.f32 v62, v39  }
0x125: {  	v53 =	vmul.f32 v63, v52;
	v1 =	vadd.f32 v54, v1;
	v54 =	vadd.f32 v56, v55  }
0x126: {  	v55 =	vadd.f32 v58, v57;
	v63 =	vadd.f32 v62, v61  }
0x127: {  	v3 =	vadd.f32 v3, v53;
	v4 =	vadd.f32 v4, v51  }
0x128: {  	v1 =	vadd.f32 v1, v2;
	v2 =	vadd.f32 v55, v54  }
0x129: {  	v60 =	vadd.f32 v63, v60;
	v3 =	vadd.f32 v4, v3;
	_ =	sdelay $0x1  }
0x12a: {  	v1 =	vadd.f32 v2, v1;
	v2 =	vadd.f32 v3, v60;
	_ =	sdelay $0x1  }
0x12b: {  	v1 =	vadd.f32 v2, v1;
	_ =	sdelay $0x1  }
0x12c: {  	v1 =	vxor.u32 $0x80000000, v1  }
0x12d: {  	v1 =	vmin.f32 v1, $8.700000000e+01  }
0x12e: {  	v1 =	vmul.f32 $1.442695020e+00, v1;
	_ =	sdelay $0x1  }
0x12f: {  	(erf) = vpow2.f32 v1;
	_ =	sdelay $0x8  }
0x130: {  	v1 =	vpop (erf)  }
0x131: {  	v1 =	vadd.f32 $1.000000000e+00, v1;
	_ =	sdelay $0x1  }
0x132: {  	v2 =	vsub.s32 $0x7EF311C3, v1  }
0x133: {  	v3 =	vmul.f32 v2, v1;
	_ =	sdelay $0x1  }
0x134: {  	v3 =	vsub.f32 $2.000000000e+00, v3;
	_ =	sdelay $0x1  }
0x135: {  	v2 =	vmul.f32 v2, v3;
	_ =	sdelay $0x1  }
0x136: {  	v3 =	vmul.f32 v2, v1;
	_ =	sdelay $0x1  }
0x137: {  	v3 =	vsub.f32 $2.000000000e+00, v3;
	_ =	sdelay $0x1  }
0x138: {  	v2 =	vmul.f32 v3, v2;
	_ =	sdelay $0x1  }
0x139: {  	v1 =	vmul.f32 v2, v1  }
0x13a: {  	s30 =	sadd.s32 $0x1E0, s15  }
0x13b: {  	v3 =	vadd.s32 s30, v25;
	v1 =	vsub.f32 $2.000000000e+00, v1  }
0x13c: {  	v4 =	vadd.s32 s30, v26  }
0x13d: {  	v61 =	vadd.s32 s30, v27;
	v1 =	vmul.f32 v1, v2  }
0x13e: {  	v62 =	vadd.s32 s30, v29  }
0x13f: {  	v63 =	vadd.s32 s30, v30;
	[tilespmem:s14+$0xFFFFFFF0] =	vst v1  }
0x140: {  	v56 =	vadd.s32 s30, v31;
	v3 =	vld.idx.msk [tilespmem:v3+s2+$0x0], $0xffff  }
0x141: {  	v57 =	vadd.s32 s30, v32;
	v4 =	vld.idx.msk [tilespmem:v4+s2+$0x0], $0xffff  }
0x142: {  	v58 =	vadd.s32 s30, v33;
	v53 =	vld.idx.msk [tilespmem:v61+s2+$0x0], $0xffff  }
0x143: {  	v59 =	vadd.s32 s30, v34;
	v54 =	vld.idx.msk [tilespmem:v62+s2+$0x0], $0xffff  }
0x144: {  	v60 =	vadd.s32 s30, v35;
	v55 =	vld.idx.msk [tilespmem:v63+s2+$0x0], $0xffff  }
0x145: {  	v2 =	vadd.s32 s30, v20;
	v56 =	vld.idx.msk [tilespmem:v56+s2+$0x0], $0xffff  }
0x146: {  	v1 =	vadd.s32 s30, v28;
	v57 =	vld.idx.msk [tilespmem:v57+s2+$0x0], $0xffff  }
0x147: {  	v61 =	vadd.s32 s30, v36;
	v58 =	vld.idx.msk [tilespmem:v58+s2+$0x0], $0xffff  }
0x148: {  	v62 =	vadd.s32 s30, v37;
	v59 =	vld.idx.msk [tilespmem:v59+s2+$0x0], $0xffff;
	v3 =	vtrunc.f32 v3;
	v4 =	vtrunc.f32 v4  }
0x149: {  	v63 =	vadd.s32 s30, v38;
	v60 =	vld.idx.msk [tilespmem:v60+s2+$0x0], $0xffff;
	v3 =	vcvt.f32.s32 v3;
	v4 =	vcvt.f32.s32 v4  }
0x14a: {  	v2 =	vld.idx.msk [tilespmem:v2+s2+$0x0], $0xffff  }
0x14b: {  	v1 =	vld.idx.msk [tilespmem:v1+s2+$0x0], $0xffff;
	v4 =	vadd.s32 $0x20, v4  }
0x14c: {  	v61 =	vld.idx.msk [tilespmem:v61+s2+$0x0], $0xffff  }
0x14d: {  	v53 =	vmul.f32 v53, v41;
	v62 =	vld.idx.msk [tilespmem:v62+s2+$0x0], $0xffff;
	v54 =	vmul.f32 v54, v43  }
0x14e: {  	v55 =	vmul.f32 v55, v44;
	v63 =	vld.idx.msk [tilespmem:v63+s2+$0x0], $0xffff;
	v56 =	vmul.f32 v56, v45  }
0x14f: {  	v59 =	vmul.f32 v59, v48;
	v60 =	vmul.f32 v60, v49;
	v3 =	vld.idx.msk [tilespmem:v3+s11+$0x0], $0xffff  }
0x150: {  	v57 =	vmul.f32 v57, v46;
	v2 =	vmul.f32 v2, v40;
	v4 =	vld.idx.msk [tilespmem:v4+s11+$0x0], $0xffff  }
0x151: {  	v58 =	vmul.f32 v58, v47;
	v60 =	vadd.f32 v60, v59;
	v1 =	vmul.f32 v1, v42  }
0x152: {  	v2 =	vadd.f32 v53, v2;
	v61 =	vmul.f32 v61, v50;
	v62 =	vmul.f32 v62, v39  }
0x153: {  	v53 =	vmul.f32 v63, v52;
	v1 =	vadd.f32 v54, v1;
	v54 =	vadd.f32 v56, v55  }
0x154: {  	v55 =	vadd.f32 v58, v57;
	v63 =	vadd.f32 v62, v61  }
0x155: {  	v3 =	vadd.f32 v3, v53;
	v4 =	vadd.f32 v4, v51  }
0x156: {  	v1 =	vadd.f32 v1, v2;
	v2 =	vadd.f32 v55, v54  }
0x157: {  	v59 =	vadd.f32 v63, v60;
	v3 =	vadd.f32 v4, v3;
	_ =	sdelay $0x1  }
0x158: {  	v1 =	vadd.f32 v2, v1;
	v2 =	vadd.f32 v3, v59;
	_ =	sdelay $0x1  }
0x159: {  	v1 =	vadd.f32 v2, v1;
	_ =	sdelay $0x1  }
0x15a: {  	v1 =	vxor.u32 $0x80000000, v1  }
0x15b: {  	v1 =	vmin.f32 v1, $8.700000000e+01  }
0x15c: {  	v1 =	vmul.f32 $1.442695020e+00, v1;
	_ =	sdelay $0x1  }
0x15d: {  	(erf) = vpow2.f32 v1;
	_ =	sdelay $0x8  }
0x15e: {  	v1 =	vpop (erf)  }
0x15f: {  	v1 =	vadd.f32 $1.000000000e+00, v1;
	_ =	sdelay $0x1  }
0x160: {  	v2 =	vsub.s32 $0x7EF311C3, v1  }
0x161: {  	v3 =	vmul.f32 v2, v1;
	_ =	sdelay $0x1  }
0x162: {  	v3 =	vsub.f32 $2.000000000e+00, v3;
	_ =	sdelay $0x1  }
0x163: {  	v2 =	vmul.f32 v2, v3;
	_ =	sdelay $0x1  }
0x164: {  	v3 =	vmul.f32 v2, v1;
	_ =	sdelay $0x1  }
0x165: {  	v3 =	vsub.f32 $2.000000000e+00, v3;
	_ =	sdelay $0x1  }
0x166: {  	v2 =	vmul.f32 v3, v2;
	_ =	sdelay $0x1  }
0x167: {  	v1 =	vmul.f32 v2, v1  }
0x168: {  	s31 =	sadd.s32 $0x2D0, s15  }
0x169: {  	v3 =	vadd.s32 s31, v25;
	v1 =	vsub.f32 $2.000000000e+00, v1  }
0x16a: {  	v4 =	vadd.s32 s31, v26  }
0x16b: {  	v60 =	vadd.s32 s31, v27;
	v1 =	vmul.f32 v1, v2  }
0x16c: {  	v61 =	vadd.s32 s31, v29  }
0x16d: {  	v62 =	vadd.s32 s31, v30;
	[tilespmem:s14+$0x0] =	vst v1  }
0x16e: {  	v56 =	vadd.s32 s31, v31;
	v3 =	vld.idx.msk [tilespmem:v3+s2+$0x0], $0xffff  }
0x16f: {  	v57 =	vadd.s32 s31, v32;
	v4 =	vld.idx.msk [tilespmem:v4+s2+$0x0], $0xffff  }
0x170: {  	v58 =	vadd.s32 s31, v33;
	v53 =	vld.idx.msk [tilespmem:v60+s2+$0x0], $0xffff  }
0x171: {  	v59 =	vadd.s32 s31, v34;
	v54 =	vld.idx.msk [tilespmem:v61+s2+$0x0], $0xffff  }
0x172: {  	v63 =	vadd.s32 s31, v38;
	v55 =	vld.idx.msk [tilespmem:v62+s2+$0x0], $0xffff  }
0x173: {  	v2 =	vadd.s32 s31, v20;
	v56 =	vld.idx.msk [tilespmem:v56+s2+$0x0], $0xffff  }
0x174: {  	v1 =	vadd.s32 s31, v28;
	v57 =	vld.idx.msk [tilespmem:v57+s2+$0x0], $0xffff  }
0x175: {  	v60 =	vadd.s32 s31, v35;
	v58 =	vld.idx.msk [tilespmem:v58+s2+$0x0], $0xffff  }
0x176: {  	v61 =	vadd.s32 s31, v36;
	v59 =	vld.idx.msk [tilespmem:v59+s2+$0x0], $0xffff  }
0x177: {  	v62 =	vadd.s32 s31, v37;
	v63 =	vld.idx.msk [tilespmem:v63+s2+$0x0], $0xffff;
	v3 =	vtrunc.f32 v3;
	v4 =	vtrunc.f32 v4  }
0x178: {  	v2 =	vld.idx.msk [tilespmem:v2+s2+$0x0], $0xffff;
	v3 =	vcvt.f32.s32 v3;
	v4 =	vcvt.f32.s32 v4  }
0x179: {  	v1 =	vld.idx.msk [tilespmem:v1+s2+$0x0], $0xffff  }
0x17a: {  	v60 =	vld.idx.msk [tilespmem:v60+s2+$0x0], $0xffff;
	v4 =	vadd.s32 $0x20, v4  }
0x17b: {  	v61 =	vld.idx.msk [tilespmem:v61+s2+$0x0], $0xffff;
	v53 =	vmul.f32 v53, v41  }
0x17c: {  	v62 =	vld.idx.msk [tilespmem:v62+s2+$0x0], $0xffff;
	v54 =	vmul.f32 v54, v43;
	v55 =	vmul.f32 v55, v44  }
0x17d: {  	v56 =	vmul.f32 v56, v45;
	v57 =	vmul.f32 v57, v46  }
0x17e: {  	v58 =	vmul.f32 v58, v47;
	v2 =	vmul.f32 v2, v40;
	v3 =	vld.idx.msk [tilespmem:v3+s11+$0x0], $0xffff  }
0x17f: {  	v59 =	vmul.f32 v59, v48;
	v1 =	vmul.f32 v1, v42;
	v4 =	vld.idx.msk [tilespmem:v4+s11+$0x0], $0xffff  }
0x180: {  	v2 =	vadd.f32 v53, v2;
	v53 =	vmul.f32 v63, v52;
	v60 =	vmul.f32 v60, v49  }
0x181: {  	v63 =	vadd.f32 v58, v57;
	v61 =	vmul.f32 v61, v50;
	v62 =	vmul.f32 v62, v39  }
0x182: {  	v1 =	vadd.f32 v54, v1;
	v54 =	vadd.f32 v56, v55  }
0x183: {  	v60 =	vadd.f32 v60, v59;
	v62 =	vadd.f32 v62, v61  }
0x184: {  	v3 =	vadd.f32 v3, v53;
	v4 =	vadd.f32 v4, v51  }
0x185: {  	v1 =	vadd.f32 v1, v2;
	v2 =	vadd.f32 v63, v54  }
0x186: {  	v63 =	vadd.f32 v62, v60;
	v3 =	vadd.f32 v4, v3;
	_ =	sdelay $0x1  }
0x187: {  	v1 =	vadd.f32 v2, v1;
	v2 =	vadd.f32 v3, v63;
	_ =	sdelay $0x1  }
0x188: {  	v1 =	vadd.f32 v2, v1;
	_ =	sdelay $0x1  }
0x189: {  	v1 =	vxor.u32 $0x80000000, v1  }
0x18a: {  	v1 =	vmin.f32 v1, $8.700000000e+01  }
0x18b: {  	v1 =	vmul.f32 $1.442695020e+00, v1;
	_ =	sdelay $0x1  }
0x18c: {  	(erf) = vpow2.f32 v1;
	_ =	sdelay $0x8  }
0x18d: {  	v1 =	vpop (erf)  }
0x18e: {  	v1 =	vadd.f32 $1.000000000e+00, v1;
	_ =	sdelay $0x1  }
0x18f: {  	v2 =	vsub.s32 $0x7EF311C3, v1  }
0x190: {  	v3 =	vmul.f32 v2, v1;
	_ =	sdelay $0x1  }
0x191: {  	v3 =	vsub.f32 $2.000000000e+00, v3;
	_ =	sdelay $0x1  }
0x192: {  	v2 =	vmul.f32 v2, v3;
	_ =	sdelay $0x1  }
0x193: {  	v3 =	vmul.f32 v2, v1;
	_ =	sdelay $0x1  }
0x194: {  	v3 =	vsub.f32 $2.000000000e+00, v3;
	_ =	sdelay $0x1  }
0x195: {  	v2 =	vmul.f32 v3, v2;
	_ =	sdelay $0x1  }
0x196: {  	v1 =	vmul.f32 v2, v1  }
0x197: {  	p1 =	sne.s32 s15, $0x1A40  }
.Ltmp0:
0x198: {  	v1 =	vsub.f32 $2.000000000e+00, v1;
	(pc) =	sbr.rel @p1 .LBB2_2-.Ltmp0, $3  }
0x199: {  	_ = 	snop  }
0x19a: {  	v1 =	vmul.f32 v1, v2;
	_ =	sdelay $0x1  }
0x19b: {  	s15 =	sadd.s32 $0x3C0, s15;
	[tilespmem:s14+$0x10] =	vst v1;
	s14 =	sadd.s32 $0x40, s14  }
0x19c: {  	s0 =	rddreg [dreg:$0x6];
	s1 =	simm.s32 $0x2080  }
0x19d: {  	[hbm4b:s0+s2] =	stream.linear.scatter [tilespmem:s1], [sflag:$0x2], $0x200, $0x38;
	[tilespmem:$0x22A0] =	vst v63  }
0x19e: {  	_ =	swait.ge [sflag:s9], $0x200  }
0x19f: {  	s13 =	sadd.s32 $0x1, s13;
	s31 =	rddreg [dreg:$0x7]  }
0x1a0: {  	p1 =	sne.s32 s13, s31  }
.Ltmp1:
0x1a1: {  	_ = 	snop;
	(pc) =	sbr.rel @p1 .LBB2_1-.Ltmp1, $3  }
0x1a2: {  	_ =	sdelay $0x1  }
0x1a3: {  	[sflag:s9] =	ssyncset.done $0x0  }
0x1a4: {  	[sflag:s9] =	ssyncadd.s32 $0xFFFFFE00  }
0x1a5: {  	_ =	sfence.sel $0x180000  }
0x1a6: {  	[bflag:$0x0] =	sbarrier.arrive $0xFFFF  }
0x1a7: {  	_ =	strace $0x90000047  }
0x1a8: {  	[bflag:$0x2] =	sbarrier.arrive $0xFFFF  }
0x1a9: {  	s0 =	rddreg [dreg:$0x3]  }
0x1aa: {  	s0 =	sadd.s32 @!p0 $0x100000, s0  }
0x1ab: {  	[sflag:s0] =	ssyncadd.tile.s32 @!p0 $0x1;
	_ =	shalt  }
.Lfunc_end2:
_tile_overlayer_lowered:
.L_overlay_start_2:
0x1ac: {  	(tag) =	ssettag $0x2  }
0x1ad: {  	s0 =	rddreg [dreg:$0x0];
	s2 =	stileid.u32  }
0x1ae: {  	s1 =	rddreg [dreg:$0x1];
	p0 =	sne.s32 s2, $0x0  }
0x1af: {  	s3 =	rddreg [dreg:$0x2];
	[bflag:$0x3] =	sbarrier.arrive $0xFFFF;
	s2 =	simm.s32 @!p0 $0x1C02  }
0x1b0: {  	[timem:s3], [sflag:s2] =	dma.local @!p0 [hbm:s0], s1  }
0x1b1: {  	s0 =	simm.s32 @!p0 $0x2  }
0x1b2: {  	_ =	swait.ge @!p0 [sflag:s0], s1  }
0x1b3: {  	s1 =	ssub.s32 @!p0 $0x0, s1;
	[sflag:s0] =	ssyncset.done @!p0 $0x0  }
0x1b4: {  	[sflag:s0] =	ssyncadd.s32 @!p0 s1  }
0x1b5: {  	[bflag:$0x3] =	sbarrier.arrive $0xFFFF  }
0x1b6: {  	_ =	shalt  }

</sc_bundles>
